<compile_context>
chip_gen: v7x
topology: tpu7x:2x2x1
jax: 0.10.2.dev20260603
libtpu: 0.0.44.dev20260713+nightly
codegen_flags: <defaults>
</compile_context>

<pallas_src>
import numpy as np
import jax
import jax.numpy as jnp
from jax.experimental import pallas as pl
from jax.experimental.pallas import tpu as pltpu

_B = 1024
_H = 32768
_C = 3
_R = 8
_K = 256
_L = 128
_W3 = _K * _L * _C // _K
_STARTS = (0, 8768, 16768, 24768)
_ENDS = (8768, 16768, 24768, 32768)
_TINY = np.float32(np.finfo(np.float32).tiny)
_NEG_INF = np.float32(-np.inf)


def _threefry_bits(k0, k1, x1):
    rot_a = (13, 15, 26, 6)
    rot_b = (17, 29, 16, 24)
    ks2 = k0 ^ k1 ^ np.uint32(0x1BD11BDA)
    x0 = jnp.broadcast_to(k0, x1.shape)

    def rounds(x0, x1, rots):
        for r in rots:
            x0 = x0 + x1
            x1 = (x1 << np.uint32(r)) | (x1 >> np.uint32(32 - r))
            x1 = x0 ^ x1
        return x0, x1

    x0, x1 = rounds(x0, x1, rot_a)
    x0, x1 = x0 + k1, x1 + ks2 + np.uint32(1)
    x0, x1 = rounds(x0, x1, rot_b)
    x0, x1 = x0 + ks2, x1 + k0 + np.uint32(2)
    x0, x1 = rounds(x0, x1, rot_a)
    x0, x1 = x0 + k0, x1 + k1 + np.uint32(3)
    x0, x1 = rounds(x0, x1, rot_b)
    x0, x1 = x0 + k1, x1 + ks2 + np.uint32(4)
    x0, x1 = rounds(x0, x1, rot_a)
    x0, x1 = x0 + ks2, x1 + k0 + np.uint32(5)
    return x0 ^ x1


def _gumbel(k0, k1, idx):
    bits = _threefry_bits(k0, k1, idx)
    fb = (bits >> np.uint32(9)) | np.uint32(0x3F800000)
    floats = jax.lax.bitcast_convert_type(fb, jnp.float32) - np.float32(1.0)
    u = floats + _TINY
    return -jnp.log(-jnp.log(u))


def _first_argmax(v, hmat):
    m = jnp.max(v, axis=(1, 2), keepdims=True)
    sel = jnp.where(v == m, hmat, jnp.int32(_H))
    return jnp.min(sel, axis=(1, 2))


def _body(key_ref, x_ref, w_ref, bias_ref, comb_ref, out_ref):
    i = pl.program_id(0)
    xb = x_ref[...].astype(jnp.bfloat16)
    sel = jax.lax.dot_general(
        xb, comb_ref[...],
        dimension_numbers=(((2,), (0,)), ((), ())),
        preferred_element_type=jnp.float32)
    l0 = sel[:, :, 0:_L]
    l1 = sel[:, :, _L:2 * _L]
    l2 = sel[:, :, 2 * _L:3 * _L]
    w_f = w_ref[...].astype(jnp.float32)
    p0 = l0 * w_f[0][None]
    p1 = l1 * w_f[1][None]
    p2 = l2 * w_f[2][None]
    sum_a = (p0 + p2) + p1
    sl2 = slice(131, 194)
    sum_b = (p1[:, sl2] + p2[:, sl2]) + p0[:, sl2]
    logits = jnp.concatenate([
        sum_a[:, :131, :],
        sum_b[:, :62, :],
        jnp.concatenate([sum_b[:, 62:63, :64], sum_a[:, 193:194, 64:]], axis=2),
        sum_a[:, 194:, :],
    ], axis=1) + bias_ref[...]

    def _seg_reduce(arr, red, comb):
        r = lambda a: red(a, axis=(1, 2), keepdims=True)
        s0 = comb(r(arr[:, :68, :]), r(arr[:, 68:69, :64]))
        s1 = comb(r(arr[:, 68:69, 64:]), r(arr[:, 69:131, :]))
        s2 = comb(r(arr[:, 131:193, :]), r(arr[:, 193:194, :64]))
        s3 = comb(r(arr[:, 193:194, 64:]), r(arr[:, 194:, :]))
        return [s0, s1, s2, s3]

    def _seg_field(s0, s1, s2, s3):
        bc = jnp.broadcast_to
        mix = lambda a, b: jnp.concatenate(
            [bc(a, (_R, 1, 64)), bc(b, (_R, 1, 64))], axis=2)
        return jnp.concatenate([
            bc(s0, (_R, 68, _L)), mix(s0, s1),
            bc(s1, (_R, 62, _L)), bc(s2, (_R, 62, _L)),
            mix(s2, s3), bc(s3, (_R, 62, _L)),
        ], axis=1)

    mseg = _seg_reduce(logits, jnp.max, jnp.maximum)
    mfull = _seg_field(*mseg)
    ez = jnp.exp(logits - mfull)
    sseg = _seg_reduce(ez, jnp.sum, jnp.add)
    sfull = _seg_field(*sseg)
    p = ez / sfull
    hmat = (jax.lax.broadcasted_iota(jnp.int32, (_R, _K, _L), 1) * _L
            + jax.lax.broadcasted_iota(jnp.int32, (_R, _K, _L), 2))
    logp = jnp.log(p)
    best = _first_argmax(p, hmat)

    k0 = key_ref[0].astype(jnp.uint32)
    k1 = key_ref[1].astype(jnp.uint32)
    row = (i * _R + jax.lax.broadcasted_iota(jnp.int32, (_R, _K, _L), 0))
    base = (row * _H + hmat).astype(jnp.uint32) + k1
    samples = []
    for e in range(3):
        v = logp + _gumbel(k0, k1, base + np.uint32(e * _B * _H))
        samples.append(_first_argmax(v, hmat))
    s0, s1, s2 = samples
    chosen = jnp.where(s0 == best, s0, jnp.where(s1 == best, s1, s2))
    out_ref[0, 0, :] = chosen


def kernel(X, W, b):
    X3 = X.reshape(_B, _K, _C * _L)

    wbf = W.astype(jnp.bfloat16)
    wcols = []
    for c in range(_C):
        parts = [jnp.broadcast_to(wbf[s, c, 0], (_ENDS[s] - _STARTS[s],))
                 for s in range(4)]
        wcols.append(jnp.concatenate(parts))
    wfull = jnp.stack(wcols).reshape(_C, _K, _L)
    bparts = [jnp.broadcast_to(b[s, 0], (_ENDS[s] - _STARTS[s],)) for s in range(4)]
    bfull = jnp.concatenate(bparts).reshape(1, _K, _L)

    j = np.arange(_C * _L)[:, None]
    cd = np.arange(_C * _L)[None, :]
    comb = jnp.asarray(j == 3 * (cd % _L) + cd // _L, dtype=jnp.bfloat16)

    kd = jax.random.key_data(jax.random.split(jax.random.key(1))[1])
    kd = kd.astype(jnp.int32)

    grid = _B // _R
    out = pl.pallas_call(
        _body,
        grid=grid,
        in_specs=[
            pl.BlockSpec(memory_space=pltpu.SMEM),
            pl.BlockSpec((_R, _K, _C * _L), lambda i: (i, 0, 0)),
            pl.BlockSpec((_C, _K, _L), lambda i: (0, 0, 0)),
            pl.BlockSpec((1, _K, _L), lambda i: (0, 0, 0)),
            pl.BlockSpec((_C * _L, _C * _L), lambda i: (0, 0)),
        ],
        out_specs=pl.BlockSpec((1, 1, _R), lambda i: (i, 0, 0)),
        out_shape=jax.ShapeDtypeStruct((grid, 1, _R), jnp.int32),
        compiler_params=pltpu.CompilerParams(
            dimension_semantics=("parallel",)),
    )(kd, X3, wfull, bfull, comb)
    return out.reshape(_B)

# --- scband reference (transcript-rebuilt; emitter-appended) ---
"""Pipeline reference for scband-reinforce-distributed-22247930593334 (READ-ONLY COPY).

The authoritative reference and input builder live on the scoring server;
editing this copy changes nothing except your own understanding.
"""

import jax, jax.numpy as jnp
import numpy as np

HSPACES = [768, 8000, 8000, 8000, 8000]
C = 3
EPSILON = 3
BATCH = 1024
HALL = sum(HSPACES)
SCORE_SPLITS = [sum(HSPACES[:i + 1]) * C for i in range(1, len(HSPACES) - 1)]


def setup_inputs(seed: int = 0) -> dict:
    key = jax.random.key(seed)
    kx, kw, kb = jax.random.split(key, 3)
    X = jax.random.normal(kx, (BATCH, HALL * C), dtype=jnp.float32)
    n_pol = len(HSPACES) - 1
    W = jax.random.normal(kw, (n_pol, C, 1), dtype=jnp.float32) * (1.0 / np.sqrt(C))
    b = jax.random.normal(kb, (n_pol, 1), dtype=jnp.float32) * 0.01
    return {"X": X, "W": W, "b": b}


def _scores(X, W, b):
    # mirrors torch.tensor_split(X, score_splits, dim=1) + per-policy Linear(3,1) + softmax(dim=1)
    x_splits = jnp.split(X, SCORE_SPLITS, axis=1)
    parts = []
    for i, Xi in enumerate(x_splits):
        Bdim, width = Xi.shape
        obs = Xi.reshape(Bdim, width // C, C).astype(jnp.float32)
        logits = obs @ W[i] + b[i]  # [B, Hi, 1]
        parts.append(jax.nn.softmax(logits, axis=1))
    scores = jnp.concatenate(parts, axis=1)  # [B, HALL, 1]
    return scores


def reference(X, W, b):
    scores = _scores(X, W, b)
    probs = scores.reshape(scores.shape[0], -1)  # [B, HALL]
    logp = jnp.log(probs)
    skey = jax.random.key(1)
    k0, k1 = jax.random.split(skey)
    # initial batch sample (faithful to dist.sample(); overwritten when epsilon > 0)
    actions0 = jax.random.categorical(k0, logp, axis=-1)  # [B]
    best = jnp.argmax(probs, axis=1)  # argmax over dim=1 of [B, HALL, 1]
    # epsilon-greedy resampling: per row, draw up to EPSILON samples, keep first that matches
    # the argmax action, otherwise keep the last draw (same semantics as the torch loop).
    samples = jax.random.categorical(k1, logp, axis=-1, shape=(EPSILON, BATCH))  # [EPSILON, B]
    match = samples == best[None, :]
    any_match = jnp.any(match, axis=0)
    first = jnp.argmax(match, axis=0)
    cols = jnp.arange(BATCH)
    chosen = jnp.where(any_match, samples[first, cols], samples[EPSILON - 1])
    actions = chosen if EPSILON > 0 else actions0
    return actions

if __name__ == "__main__":
    import jax
    _d = setup_inputs()
    print(jax.jit(kernel)(*tuple(_d.values())))

</pallas_src>

<mosaic_0001>
module attributes {stable_mosaic.version = 14 : i64} {
  func.func @_body(%arg0: i32, %arg1: memref<2xi32, #tpu.memory_space<smem>>, %arg2: memref<8x256x384xf32, #tpu.memory_space<vmem>>, %arg3: memref<3x256x128xbf16, #tpu.memory_space<vmem>>, %arg4: memref<1x256x128xf32, #tpu.memory_space<vmem>>, %arg5: memref<384x384xbf16, #tpu.memory_space<vmem>>, %arg6: memref<1x1x8xi32, #tpu.memory_space<vmem>>) attributes {dimension_semantics = [#tpu.dimension_semantics<parallel>], iteration_bounds = array<i64: 128>, scalar_prefetch = 0 : i64, scratch_operands = 0 : i64, tpu.core_type = #tpu.core_type<tc>, window_params = [{transform_indices = @transform_0, window_bounds = array<i64: 2>}, {transform_indices = @transform_1, window_bounds = array<i64: 8, 256, 384>}, {pipeline_mode = #tpu.pipeline_mode<synchronous>, transform_indices = @transform_2, window_bounds = array<i64: 3, 256, 128>}, {pipeline_mode = #tpu.pipeline_mode<synchronous>, transform_indices = @transform_3, window_bounds = array<i64: 1, 256, 128>}, {pipeline_mode = #tpu.pipeline_mode<synchronous>, transform_indices = @transform_4, window_bounds = array<i64: 384, 384>}, {transform_indices = @transform_5, window_bounds = array<i64: 1, 1, 8>}]} {
    %get3A = arith.constant 0 : index
    %get3A_0 = arith.constant 0 : index
    %get3A_1 = arith.constant 0 : index
    %get3A_2 = vector.load %arg2[%get3A, %get3A_0, %get3A_1] : memref<8x256x384xf32, #tpu.memory_space<vmem>>, vector<8x256x384xf32>
    %convert_element_type3A = arith.truncf %get3A_2 : vector<8x256x384xf32> to vector<8x256x384xbf16>
    %get3A_3 = arith.constant 0 : index
    %get3A_4 = arith.constant 0 : index
    %get3A_5 = vector.load %arg5[%get3A_3, %get3A_4] : memref<384x384xbf16, #tpu.memory_space<vmem>>, vector<384x384xbf16>
    %dot_general3A = arith.constant dense<0.000000e+00> : vector<8x256x384xf32>
    %dot_general3A_6 = tpu.matmul %convert_element_type3A, %get3A_5, %dot_general3A {dimension_numbers = #tpu.dot_dimension_numbers<[2], [0], [0, 1], [1], [0, 0, 0, 1, 1, 1], [], []>, transpose_lhs_hint = false} : vector<8x256x384xbf16>, vector<384x384xbf16>, vector<8x256x384xf32> -> vector<8x256x384xf32>
    %slice3A = vector.extract_strided_slice %dot_general3A_6 {offsets = [0, 0, 0], sizes = [8, 256, 128], strides = [1, 1, 1]} : vector<8x256x384xf32> to vector<8x256x128xf32>
    %slice3A_7 = vector.extract_strided_slice %dot_general3A_6 {offsets = [0, 0, 128], sizes = [8, 256, 128], strides = [1, 1, 1]} : vector<8x256x384xf32> to vector<8x256x128xf32>
    %slice3A_8 = vector.extract_strided_slice %dot_general3A_6 {offsets = [0, 0, 256], sizes = [8, 256, 128], strides = [1, 1, 1]} : vector<8x256x384xf32> to vector<8x256x128xf32>
    %get3A_9 = arith.constant 0 : index
    %get3A_10 = arith.constant 0 : index
    %get3A_11 = arith.constant 0 : index
    %get3A_12 = vector.load %arg3[%get3A_9, %get3A_10, %get3A_11] : memref<3x256x128xbf16, #tpu.memory_space<vmem>>, vector<3x256x128xbf16>
    %convert_element_type3A_13 = arith.extf %get3A_12 : vector<3x256x128xbf16> to vector<3x256x128xf32>
    %slice3A_14 = vector.extract_strided_slice %convert_element_type3A_13 {offsets = [0, 0, 0], sizes = [1, 256, 128], strides = [1, 1, 1]} : vector<3x256x128xf32> to vector<1x256x128xf32>
    %squeeze3A = vector.shape_cast %slice3A_14 : vector<1x256x128xf32> to vector<256x128xf32>
    %broadcast_in_dim3A = vector.shape_cast %squeeze3A : vector<256x128xf32> to vector<1x256x128xf32>
    %mul3A = vector.broadcast %broadcast_in_dim3A : vector<1x256x128xf32> to vector<8x256x128xf32>
    %mul3A_15 = arith.mulf %slice3A, %mul3A : vector<8x256x128xf32>
    %slice3A_16 = vector.extract_strided_slice %convert_element_type3A_13 {offsets = [1, 0, 0], sizes = [1, 256, 128], strides = [1, 1, 1]} : vector<3x256x128xf32> to vector<1x256x128xf32>
    %squeeze3A_17 = vector.shape_cast %slice3A_16 : vector<1x256x128xf32> to vector<256x128xf32>
    %broadcast_in_dim3A_18 = vector.shape_cast %squeeze3A_17 : vector<256x128xf32> to vector<1x256x128xf32>
    %mul3A_19 = vector.broadcast %broadcast_in_dim3A_18 : vector<1x256x128xf32> to vector<8x256x128xf32>
    %mul3A_20 = arith.mulf %slice3A_7, %mul3A_19 : vector<8x256x128xf32>
    %slice3A_21 = vector.extract_strided_slice %convert_element_type3A_13 {offsets = [2, 0, 0], sizes = [1, 256, 128], strides = [1, 1, 1]} : vector<3x256x128xf32> to vector<1x256x128xf32>
    %squeeze3A_22 = vector.shape_cast %slice3A_21 : vector<1x256x128xf32> to vector<256x128xf32>
    %broadcast_in_dim3A_23 = vector.shape_cast %squeeze3A_22 : vector<256x128xf32> to vector<1x256x128xf32>
    %mul3A_24 = vector.broadcast %broadcast_in_dim3A_23 : vector<1x256x128xf32> to vector<8x256x128xf32>
    %mul3A_25 = arith.mulf %slice3A_8, %mul3A_24 : vector<8x256x128xf32>
    %add3A = arith.addf %mul3A_15, %mul3A_25 : vector<8x256x128xf32>
    %add3A_26 = arith.addf %add3A, %mul3A_20 : vector<8x256x128xf32>
    %slice3A_27 = vector.extract_strided_slice %mul3A_20 {offsets = [0, 131, 0], sizes = [8, 63, 128], strides = [1, 1, 1]} : vector<8x256x128xf32> to vector<8x63x128xf32>
    %slice3A_28 = vector.extract_strided_slice %mul3A_25 {offsets = [0, 131, 0], sizes = [8, 63, 128], strides = [1, 1, 1]} : vector<8x256x128xf32> to vector<8x63x128xf32>
    %add3A_29 = arith.addf %slice3A_27, %slice3A_28 : vector<8x63x128xf32>
    %slice3A_30 = vector.extract_strided_slice %mul3A_15 {offsets = [0, 131, 0], sizes = [8, 63, 128], strides = [1, 1, 1]} : vector<8x256x128xf32> to vector<8x63x128xf32>
    %add3A_31 = arith.addf %add3A_29, %slice3A_30 : vector<8x63x128xf32>
    %slice3A_32 = vector.extract_strided_slice %add3A_26 {offsets = [0, 0, 0], sizes = [8, 131, 128], strides = [1, 1, 1]} : vector<8x256x128xf32> to vector<8x131x128xf32>
    %slice3A_33 = vector.extract_strided_slice %add3A_31 {offsets = [0, 0, 0], sizes = [8, 62, 128], strides = [1, 1, 1]} : vector<8x63x128xf32> to vector<8x62x128xf32>
    %slice3A_34 = vector.extract_strided_slice %add3A_31 {offsets = [0, 62, 0], sizes = [8, 1, 64], strides = [1, 1, 1]} : vector<8x63x128xf32> to vector<8x1x64xf32>
    %slice3A_35 = vector.extract_strided_slice %add3A_26 {offsets = [0, 193, 64], sizes = [8, 1, 64], strides = [1, 1, 1]} : vector<8x256x128xf32> to vector<8x1x64xf32>
    %concatenate3A = tpu.concatenate %slice3A_34, %slice3A_35 in 2 : vector<8x1x64xf32>, vector<8x1x64xf32> -> vector<8x1x128xf32>
    %slice3A_36 = vector.extract_strided_slice %add3A_26 {offsets = [0, 194, 0], sizes = [8, 62, 128], strides = [1, 1, 1]} : vector<8x256x128xf32> to vector<8x62x128xf32>
    %concatenate3A_37 = tpu.concatenate %slice3A_32, %slice3A_33, %concatenate3A, %slice3A_36 in 1 : vector<8x131x128xf32>, vector<8x62x128xf32>, vector<8x1x128xf32>, vector<8x62x128xf32> -> vector<8x256x128xf32>
    %get3A_38 = arith.constant 0 : index
    %get3A_39 = arith.constant 0 : index
    %get3A_40 = arith.constant 0 : index
    %get3A_41 = vector.load %arg4[%get3A_38, %get3A_39, %get3A_40] : memref<1x256x128xf32, #tpu.memory_space<vmem>>, vector<1x256x128xf32>
    %add3A_42 = vector.broadcast %get3A_41 : vector<1x256x128xf32> to vector<8x256x128xf32>
    %add3A_43 = arith.addf %concatenate3A_37, %add3A_42 : vector<8x256x128xf32>
    %slice3A_44 = vector.extract_strided_slice %add3A_43 {offsets = [0, 0, 0], sizes = [8, 68, 128], strides = [1, 1, 1]} : vector<8x256x128xf32> to vector<8x68x128xf32>
    %reduce_max3A = arith.constant dense<0xFF800000> : vector<8xf32>
    %reduce_max3A_45 = vector.multi_reduction <maximumf>, %slice3A_44, %reduce_max3A [1, 2] : vector<8x68x128xf32> to vector<8xf32>
    %broadcast_in_dim3A_46 = vector.shape_cast %reduce_max3A_45 : vector<8xf32> to vector<8x1x1xf32>
    %slice3A_47 = vector.extract_strided_slice %add3A_43 {offsets = [0, 68, 0], sizes = [8, 1, 64], strides = [1, 1, 1]} : vector<8x256x128xf32> to vector<8x1x64xf32>
    %reduce_max3A_48 = arith.constant dense<0xFF800000> : vector<8xf32>
    %reduce_max3A_49 = vector.multi_reduction <maximumf>, %slice3A_47, %reduce_max3A_48 [1, 2] : vector<8x1x64xf32> to vector<8xf32>
    %broadcast_in_dim3A_50 = vector.shape_cast %reduce_max3A_49 : vector<8xf32> to vector<8x1x1xf32>
    %max3A = arith.maximumf %broadcast_in_dim3A_46, %broadcast_in_dim3A_50 : vector<8x1x1xf32>
    %slice3A_51 = vector.extract_strided_slice %add3A_43 {offsets = [0, 68, 64], sizes = [8, 1, 64], strides = [1, 1, 1]} : vector<8x256x128xf32> to vector<8x1x64xf32>
    %reduce_max3A_52 = arith.constant dense<0xFF800000> : vector<8xf32>
    %reduce_max3A_53 = vector.multi_reduction <maximumf>, %slice3A_51, %reduce_max3A_52 [1, 2] : vector<8x1x64xf32> to vector<8xf32>
    %broadcast_in_dim3A_54 = vector.shape_cast %reduce_max3A_53 : vector<8xf32> to vector<8x1x1xf32>
    %slice3A_55 = vector.extract_strided_slice %add3A_43 {offsets = [0, 69, 0], sizes = [8, 62, 128], strides = [1, 1, 1]} : vector<8x256x128xf32> to vector<8x62x128xf32>
    %reduce_max3A_56 = arith.constant dense<0xFF800000> : vector<8xf32>
    %reduce_max3A_57 = vector.multi_reduction <maximumf>, %slice3A_55, %reduce_max3A_56 [1, 2] : vector<8x62x128xf32> to vector<8xf32>
    %broadcast_in_dim3A_58 = vector.shape_cast %reduce_max3A_57 : vector<8xf32> to vector<8x1x1xf32>
    %max3A_59 = arith.maximumf %broadcast_in_dim3A_54, %broadcast_in_dim3A_58 : vector<8x1x1xf32>
    %slice3A_60 = vector.extract_strided_slice %add3A_43 {offsets = [0, 131, 0], sizes = [8, 62, 128], strides = [1, 1, 1]} : vector<8x256x128xf32> to vector<8x62x128xf32>
    %reduce_max3A_61 = arith.constant dense<0xFF800000> : vector<8xf32>
    %reduce_max3A_62 = vector.multi_reduction <maximumf>, %slice3A_60, %reduce_max3A_61 [1, 2] : vector<8x62x128xf32> to vector<8xf32>
    %broadcast_in_dim3A_63 = vector.shape_cast %reduce_max3A_62 : vector<8xf32> to vector<8x1x1xf32>
    %slice3A_64 = vector.extract_strided_slice %add3A_43 {offsets = [0, 193, 0], sizes = [8, 1, 64], strides = [1, 1, 1]} : vector<8x256x128xf32> to vector<8x1x64xf32>
    %reduce_max3A_65 = arith.constant dense<0xFF800000> : vector<8xf32>
    %reduce_max3A_66 = vector.multi_reduction <maximumf>, %slice3A_64, %reduce_max3A_65 [1, 2] : vector<8x1x64xf32> to vector<8xf32>
    %broadcast_in_dim3A_67 = vector.shape_cast %reduce_max3A_66 : vector<8xf32> to vector<8x1x1xf32>
    %max3A_68 = arith.maximumf %broadcast_in_dim3A_63, %broadcast_in_dim3A_67 : vector<8x1x1xf32>
    %slice3A_69 = vector.extract_strided_slice %add3A_43 {offsets = [0, 193, 64], sizes = [8, 1, 64], strides = [1, 1, 1]} : vector<8x256x128xf32> to vector<8x1x64xf32>
    %reduce_max3A_70 = arith.constant dense<0xFF800000> : vector<8xf32>
    %reduce_max3A_71 = vector.multi_reduction <maximumf>, %slice3A_69, %reduce_max3A_70 [1, 2] : vector<8x1x64xf32> to vector<8xf32>
    %broadcast_in_dim3A_72 = vector.shape_cast %reduce_max3A_71 : vector<8xf32> to vector<8x1x1xf32>
    %slice3A_73 = vector.extract_strided_slice %add3A_43 {offsets = [0, 194, 0], sizes = [8, 62, 128], strides = [1, 1, 1]} : vector<8x256x128xf32> to vector<8x62x128xf32>
    %reduce_max3A_74 = arith.constant dense<0xFF800000> : vector<8xf32>
    %reduce_max3A_75 = vector.multi_reduction <maximumf>, %slice3A_73, %reduce_max3A_74 [1, 2] : vector<8x62x128xf32> to vector<8xf32>
    %broadcast_in_dim3A_76 = vector.shape_cast %reduce_max3A_75 : vector<8xf32> to vector<8x1x1xf32>
    %max3A_77 = arith.maximumf %broadcast_in_dim3A_72, %broadcast_in_dim3A_76 : vector<8x1x1xf32>
    %broadcast_in_dim3A_78 = vector.shape_cast %max3A : vector<8x1x1xf32> to vector<8x1x1xf32>
    %broadcast_in_dim3A_79 = vector.broadcast %broadcast_in_dim3A_78 : vector<8x1x1xf32> to vector<8x68x128xf32>
    %broadcast_in_dim3A_80 = vector.shape_cast %max3A : vector<8x1x1xf32> to vector<8x1x1xf32>
    %broadcast_in_dim3A_81 = vector.broadcast %broadcast_in_dim3A_80 : vector<8x1x1xf32> to vector<8x1x64xf32>
    %broadcast_in_dim3A_82 = vector.shape_cast %max3A_59 : vector<8x1x1xf32> to vector<8x1x1xf32>
    %broadcast_in_dim3A_83 = vector.broadcast %broadcast_in_dim3A_82 : vector<8x1x1xf32> to vector<8x1x64xf32>
    %concatenate3A_84 = tpu.concatenate %broadcast_in_dim3A_81, %broadcast_in_dim3A_83 in 2 : vector<8x1x64xf32>, vector<8x1x64xf32> -> vector<8x1x128xf32>
    %broadcast_in_dim3A_85 = vector.shape_cast %max3A_59 : vector<8x1x1xf32> to vector<8x1x1xf32>
    %broadcast_in_dim3A_86 = vector.broadcast %broadcast_in_dim3A_85 : vector<8x1x1xf32> to vector<8x62x128xf32>
    %broadcast_in_dim3A_87 = vector.shape_cast %max3A_68 : vector<8x1x1xf32> to vector<8x1x1xf32>
    %broadcast_in_dim3A_88 = vector.broadcast %broadcast_in_dim3A_87 : vector<8x1x1xf32> to vector<8x62x128xf32>
    %broadcast_in_dim3A_89 = vector.shape_cast %max3A_68 : vector<8x1x1xf32> to vector<8x1x1xf32>
    %broadcast_in_dim3A_90 = vector.broadcast %broadcast_in_dim3A_89 : vector<8x1x1xf32> to vector<8x1x64xf32>
    %broadcast_in_dim3A_91 = vector.shape_cast %max3A_77 : vector<8x1x1xf32> to vector<8x1x1xf32>
    %broadcast_in_dim3A_92 = vector.broadcast %broadcast_in_dim3A_91 : vector<8x1x1xf32> to vector<8x1x64xf32>
    %concatenate3A_93 = tpu.concatenate %broadcast_in_dim3A_90, %broadcast_in_dim3A_92 in 2 : vector<8x1x64xf32>, vector<8x1x64xf32> -> vector<8x1x128xf32>
    %broadcast_in_dim3A_94 = vector.shape_cast %max3A_77 : vector<8x1x1xf32> to vector<8x1x1xf32>
    %broadcast_in_dim3A_95 = vector.broadcast %broadcast_in_dim3A_94 : vector<8x1x1xf32> to vector<8x62x128xf32>
    %concatenate3A_96 = tpu.concatenate %broadcast_in_dim3A_79, %concatenate3A_84, %broadcast_in_dim3A_86, %broadcast_in_dim3A_88, %concatenate3A_93, %broadcast_in_dim3A_95 in 1 : vector<8x68x128xf32>, vector<8x1x128xf32>, vector<8x62x128xf32>, vector<8x62x128xf32>, vector<8x1x128xf32>, vector<8x62x128xf32> -> vector<8x256x128xf32>
    %sub3A = arith.subf %add3A_43, %concatenate3A_96 : vector<8x256x128xf32>
    %exp3A = math.exp %sub3A : vector<8x256x128xf32>
    %slice3A_97 = vector.extract_strided_slice %exp3A {offsets = [0, 0, 0], sizes = [8, 68, 128], strides = [1, 1, 1]} : vector<8x256x128xf32> to vector<8x68x128xf32>
    %reduce_sum3A = arith.constant dense<0.000000e+00> : vector<8xf32>
    %reduce_sum3A_98 = vector.multi_reduction <add>, %slice3A_97, %reduce_sum3A [1, 2] : vector<8x68x128xf32> to vector<8xf32>
    %broadcast_in_dim3A_99 = vector.shape_cast %reduce_sum3A_98 : vector<8xf32> to vector<8x1x1xf32>
    %slice3A_100 = vector.extract_strided_slice %exp3A {offsets = [0, 68, 0], sizes = [8, 1, 64], strides = [1, 1, 1]} : vector<8x256x128xf32> to vector<8x1x64xf32>
    %reduce_sum3A_101 = arith.constant dense<0.000000e+00> : vector<8xf32>
    %reduce_sum3A_102 = vector.multi_reduction <add>, %slice3A_100, %reduce_sum3A_101 [1, 2] : vector<8x1x64xf32> to vector<8xf32>
    %broadcast_in_dim3A_103 = vector.shape_cast %reduce_sum3A_102 : vector<8xf32> to vector<8x1x1xf32>
    %add3A_104 = arith.addf %broadcast_in_dim3A_99, %broadcast_in_dim3A_103 : vector<8x1x1xf32>
    %slice3A_105 = vector.extract_strided_slice %exp3A {offsets = [0, 68, 64], sizes = [8, 1, 64], strides = [1, 1, 1]} : vector<8x256x128xf32> to vector<8x1x64xf32>
    %reduce_sum3A_106 = arith.constant dense<0.000000e+00> : vector<8xf32>
    %reduce_sum3A_107 = vector.multi_reduction <add>, %slice3A_105, %reduce_sum3A_106 [1, 2] : vector<8x1x64xf32> to vector<8xf32>
    %broadcast_in_dim3A_108 = vector.shape_cast %reduce_sum3A_107 : vector<8xf32> to vector<8x1x1xf32>
    %slice3A_109 = vector.extract_strided_slice %exp3A {offsets = [0, 69, 0], sizes = [8, 62, 128], strides = [1, 1, 1]} : vector<8x256x128xf32> to vector<8x62x128xf32>
    %reduce_sum3A_110 = arith.constant dense<0.000000e+00> : vector<8xf32>
    %reduce_sum3A_111 = vector.multi_reduction <add>, %slice3A_109, %reduce_sum3A_110 [1, 2] : vector<8x62x128xf32> to vector<8xf32>
    %broadcast_in_dim3A_112 = vector.shape_cast %reduce_sum3A_111 : vector<8xf32> to vector<8x1x1xf32>
    %add3A_113 = arith.addf %broadcast_in_dim3A_108, %broadcast_in_dim3A_112 : vector<8x1x1xf32>
    %slice3A_114 = vector.extract_strided_slice %exp3A {offsets = [0, 131, 0], sizes = [8, 62, 128], strides = [1, 1, 1]} : vector<8x256x128xf32> to vector<8x62x128xf32>
    %reduce_sum3A_115 = arith.constant dense<0.000000e+00> : vector<8xf32>
    %reduce_sum3A_116 = vector.multi_reduction <add>, %slice3A_114, %reduce_sum3A_115 [1, 2] : vector<8x62x128xf32> to vector<8xf32>
    %broadcast_in_dim3A_117 = vector.shape_cast %reduce_sum3A_116 : vector<8xf32> to vector<8x1x1xf32>
    %slice3A_118 = vector.extract_strided_slice %exp3A {offsets = [0, 193, 0], sizes = [8, 1, 64], strides = [1, 1, 1]} : vector<8x256x128xf32> to vector<8x1x64xf32>
    %reduce_sum3A_119 = arith.constant dense<0.000000e+00> : vector<8xf32>
    %reduce_sum3A_120 = vector.multi_reduction <add>, %slice3A_118, %reduce_sum3A_119 [1, 2] : vector<8x1x64xf32> to vector<8xf32>
    %broadcast_in_dim3A_121 = vector.shape_cast %reduce_sum3A_120 : vector<8xf32> to vector<8x1x1xf32>
    %add3A_122 = arith.addf %broadcast_in_dim3A_117, %broadcast_in_dim3A_121 : vector<8x1x1xf32>
    %slice3A_123 = vector.extract_strided_slice %exp3A {offsets = [0, 193, 64], sizes = [8, 1, 64], strides = [1, 1, 1]} : vector<8x256x128xf32> to vector<8x1x64xf32>
    %reduce_sum3A_124 = arith.constant dense<0.000000e+00> : vector<8xf32>
    %reduce_sum3A_125 = vector.multi_reduction <add>, %slice3A_123, %reduce_sum3A_124 [1, 2] : vector<8x1x64xf32> to vector<8xf32>
    %broadcast_in_dim3A_126 = vector.shape_cast %reduce_sum3A_125 : vector<8xf32> to vector<8x1x1xf32>
    %slice3A_127 = vector.extract_strided_slice %exp3A {offsets = [0, 194, 0], sizes = [8, 62, 128], strides = [1, 1, 1]} : vector<8x256x128xf32> to vector<8x62x128xf32>
    %reduce_sum3A_128 = arith.constant dense<0.000000e+00> : vector<8xf32>
    %reduce_sum3A_129 = vector.multi_reduction <add>, %slice3A_127, %reduce_sum3A_128 [1, 2] : vector<8x62x128xf32> to vector<8xf32>
    %broadcast_in_dim3A_130 = vector.shape_cast %reduce_sum3A_129 : vector<8xf32> to vector<8x1x1xf32>
    %add3A_131 = arith.addf %broadcast_in_dim3A_126, %broadcast_in_dim3A_130 : vector<8x1x1xf32>
    %broadcast_in_dim3A_132 = vector.shape_cast %add3A_104 : vector<8x1x1xf32> to vector<8x1x1xf32>
    %broadcast_in_dim3A_133 = vector.broadcast %broadcast_in_dim3A_132 : vector<8x1x1xf32> to vector<8x68x128xf32>
    %broadcast_in_dim3A_134 = vector.shape_cast %add3A_104 : vector<8x1x1xf32> to vector<8x1x1xf32>
    %broadcast_in_dim3A_135 = vector.broadcast %broadcast_in_dim3A_134 : vector<8x1x1xf32> to vector<8x1x64xf32>
    %broadcast_in_dim3A_136 = vector.shape_cast %add3A_113 : vector<8x1x1xf32> to vector<8x1x1xf32>
    %broadcast_in_dim3A_137 = vector.broadcast %broadcast_in_dim3A_136 : vector<8x1x1xf32> to vector<8x1x64xf32>
    %concatenate3A_138 = tpu.concatenate %broadcast_in_dim3A_135, %broadcast_in_dim3A_137 in 2 : vector<8x1x64xf32>, vector<8x1x64xf32> -> vector<8x1x128xf32>
    %broadcast_in_dim3A_139 = vector.shape_cast %add3A_113 : vector<8x1x1xf32> to vector<8x1x1xf32>
    %broadcast_in_dim3A_140 = vector.broadcast %broadcast_in_dim3A_139 : vector<8x1x1xf32> to vector<8x62x128xf32>
    %broadcast_in_dim3A_141 = vector.shape_cast %add3A_122 : vector<8x1x1xf32> to vector<8x1x1xf32>
    %broadcast_in_dim3A_142 = vector.broadcast %broadcast_in_dim3A_141 : vector<8x1x1xf32> to vector<8x62x128xf32>
    %broadcast_in_dim3A_143 = vector.shape_cast %add3A_122 : vector<8x1x1xf32> to vector<8x1x1xf32>
    %broadcast_in_dim3A_144 = vector.broadcast %broadcast_in_dim3A_143 : vector<8x1x1xf32> to vector<8x1x64xf32>
    %broadcast_in_dim3A_145 = vector.shape_cast %add3A_131 : vector<8x1x1xf32> to vector<8x1x1xf32>
    %broadcast_in_dim3A_146 = vector.broadcast %broadcast_in_dim3A_145 : vector<8x1x1xf32> to vector<8x1x64xf32>
    %concatenate3A_147 = tpu.concatenate %broadcast_in_dim3A_144, %broadcast_in_dim3A_146 in 2 : vector<8x1x64xf32>, vector<8x1x64xf32> -> vector<8x1x128xf32>
    %broadcast_in_dim3A_148 = vector.shape_cast %add3A_131 : vector<8x1x1xf32> to vector<8x1x1xf32>
    %broadcast_in_dim3A_149 = vector.broadcast %broadcast_in_dim3A_148 : vector<8x1x1xf32> to vector<8x62x128xf32>
    %concatenate3A_150 = tpu.concatenate %broadcast_in_dim3A_133, %concatenate3A_138, %broadcast_in_dim3A_140, %broadcast_in_dim3A_142, %concatenate3A_147, %broadcast_in_dim3A_149 in 1 : vector<8x68x128xf32>, vector<8x1x128xf32>, vector<8x62x128xf32>, vector<8x62x128xf32>, vector<8x1x128xf32>, vector<8x62x128xf32> -> vector<8x256x128xf32>
    %div3A = arith.divf %exp3A, %concatenate3A_150 : vector<8x256x128xf32>
    %iota3A = tpu.iota {dimensions = array<i32: 1>} : vector<8x256x128xi32>
    %mul3A_151 = arith.constant 128 : i32
    %mul3A_152 = vector.broadcast %mul3A_151 : i32 to vector<8x256x128xi32>
    %mul3A_153 = arith.muli %iota3A, %mul3A_152 : vector<8x256x128xi32>
    %iota3A_154 = tpu.iota {dimensions = array<i32: 2>} : vector<8x256x128xi32>
    %add3A_155 = arith.addi %mul3A_153, %iota3A_154 : vector<8x256x128xi32>
    %log3A = math.log %div3A : vector<8x256x128xf32>
    %reduce_max3A_156 = arith.constant dense<0xFF800000> : vector<8xf32>
    %reduce_max3A_157 = vector.multi_reduction <maximumf>, %div3A, %reduce_max3A_156 [1, 2] : vector<8x256x128xf32> to vector<8xf32>
    %broadcast_in_dim3A_158 = vector.shape_cast %reduce_max3A_157 : vector<8xf32> to vector<8x1x1xf32>
    %eq3A = vector.broadcast %broadcast_in_dim3A_158 : vector<8x1x1xf32> to vector<8x256x128xf32>
    %eq3A_159 = arith.cmpf oeq, %div3A, %eq3A : vector<8x256x128xf32>
    %jit3A = arith.constant 32768 : i32
    %broadcast_in_dim3A_160 = vector.broadcast %jit3A : i32 to vector<8x256x128xi32>
    %select_n3A = arith.select %eq3A_159, %add3A_155, %broadcast_in_dim3A_160 : vector<8x256x128xi1>, vector<8x256x128xi32>
    %reduce_min3A = arith.constant dense<2147483647> : vector<8xi32>
    %reduce_min3A_161 = vector.multi_reduction <minsi>, %select_n3A, %reduce_min3A [1, 2] : vector<8x256x128xi32> to vector<8xi32>
    %get3A_162 = arith.constant 0 : index
    %get3A_163 = memref.load %arg1[%get3A_162] : memref<2xi32, #tpu.memory_space<smem>>
    %get3A_164 = arith.constant 1 : index
    %get3A_165 = memref.load %arg1[%get3A_164] : memref<2xi32, #tpu.memory_space<smem>>
    %mul3A_166 = arith.constant 8 : i32
    %mul3A_167 = arith.muli %arg0, %mul3A_166 : i32
    %iota3A_168 = tpu.iota {dimensions = array<i32: 0>} : vector<8x256x128xi32>
    %add3A_169 = vector.broadcast %mul3A_167 : i32 to vector<8x256x128xi32>
    %add3A_170 = arith.addi %add3A_169, %iota3A_168 : vector<8x256x128xi32>
    %mul3A_171 = arith.constant 32768 : i32
    %mul3A_172 = vector.broadcast %mul3A_171 : i32 to vector<8x256x128xi32>
    %mul3A_173 = arith.muli %add3A_170, %mul3A_172 : vector<8x256x128xi32>
    %add3A_174 = arith.addi %mul3A_173, %add3A_155 : vector<8x256x128xi32>
    %add3A_175 = vector.broadcast %get3A_165 : i32 to vector<8x256x128xi32>
    %add3A_176 = arith.addi %add3A_174, %add3A_175 : vector<8x256x128xi32>
    %add3A_177 = arith.constant 0 : i32
    %add3A_178 = vector.broadcast %add3A_177 : i32 to vector<8x256x128xi32>
    %add3A_179 = arith.addi %add3A_176, %add3A_178 : vector<8x256x128xi32>
    %xor3A = arith.xori %get3A_163, %get3A_165 : i32
    %xor3A_180 = arith.constant 466688986 : i32
    %xor3A_181 = arith.xori %xor3A, %xor3A_180 : i32
    %broadcast_in_dim3A_182 = vector.broadcast %get3A_163 : i32 to vector<8x256x128xi32>
    %add3A_183 = arith.addi %broadcast_in_dim3A_182, %add3A_179 : vector<8x256x128xi32>
    %shift_left3A = arith.constant 13 : i32
    %shift_left3A_184 = vector.broadcast %shift_left3A : i32 to vector<8x256x128xi32>
    %shift_left3A_185 = arith.shli %add3A_179, %shift_left3A_184 : vector<8x256x128xi32>
    %shift_right_logical3A = arith.constant 19 : i32
    %shift_right_logical3A_186 = vector.broadcast %shift_right_logical3A : i32 to vector<8x256x128xi32>
    %shift_right_logical3A_187 = arith.shrui %add3A_179, %shift_right_logical3A_186 : vector<8x256x128xi32>
    %or3A = arith.ori %shift_left3A_185, %shift_right_logical3A_187 : vector<8x256x128xi32>
    %xor3A_188 = arith.xori %add3A_183, %or3A : vector<8x256x128xi32>
    %add3A_189 = arith.addi %add3A_183, %xor3A_188 : vector<8x256x128xi32>
    %shift_left3A_190 = arith.constant 15 : i32
    %shift_left3A_191 = vector.broadcast %shift_left3A_190 : i32 to vector<8x256x128xi32>
    %shift_left3A_192 = arith.shli %xor3A_188, %shift_left3A_191 : vector<8x256x128xi32>
    %shift_right_logical3A_193 = arith.constant 17 : i32
    %shift_right_logical3A_194 = vector.broadcast %shift_right_logical3A_193 : i32 to vector<8x256x128xi32>
    %shift_right_logical3A_195 = arith.shrui %xor3A_188, %shift_right_logical3A_194 : vector<8x256x128xi32>
    %or3A_196 = arith.ori %shift_left3A_192, %shift_right_logical3A_195 : vector<8x256x128xi32>
    %xor3A_197 = arith.xori %add3A_189, %or3A_196 : vector<8x256x128xi32>
    %add3A_198 = arith.addi %add3A_189, %xor3A_197 : vector<8x256x128xi32>
    %shift_left3A_199 = arith.constant 26 : i32
    %shift_left3A_200 = vector.broadcast %shift_left3A_199 : i32 to vector<8x256x128xi32>
    %shift_left3A_201 = arith.shli %xor3A_197, %shift_left3A_200 : vector<8x256x128xi32>
    %shift_right_logical3A_202 = arith.constant 6 : i32
    %shift_right_logical3A_203 = vector.broadcast %shift_right_logical3A_202 : i32 to vector<8x256x128xi32>
    %shift_right_logical3A_204 = arith.shrui %xor3A_197, %shift_right_logical3A_203 : vector<8x256x128xi32>
    %or3A_205 = arith.ori %shift_left3A_201, %shift_right_logical3A_204 : vector<8x256x128xi32>
    %xor3A_206 = arith.xori %add3A_198, %or3A_205 : vector<8x256x128xi32>
    %add3A_207 = arith.addi %add3A_198, %xor3A_206 : vector<8x256x128xi32>
    %shift_left3A_208 = arith.constant 6 : i32
    %shift_left3A_209 = vector.broadcast %shift_left3A_208 : i32 to vector<8x256x128xi32>
    %shift_left3A_210 = arith.shli %xor3A_206, %shift_left3A_209 : vector<8x256x128xi32>
    %shift_right_logical3A_211 = arith.constant 26 : i32
    %shift_right_logical3A_212 = vector.broadcast %shift_right_logical3A_211 : i32 to vector<8x256x128xi32>
    %shift_right_logical3A_213 = arith.shrui %xor3A_206, %shift_right_logical3A_212 : vector<8x256x128xi32>
    %or3A_214 = arith.ori %shift_left3A_210, %shift_right_logical3A_213 : vector<8x256x128xi32>
    %xor3A_215 = arith.xori %add3A_207, %or3A_214 : vector<8x256x128xi32>
    %add3A_216 = vector.broadcast %get3A_165 : i32 to vector<8x256x128xi32>
    %add3A_217 = arith.addi %add3A_207, %add3A_216 : vector<8x256x128xi32>
    %add3A_218 = vector.broadcast %xor3A_181 : i32 to vector<8x256x128xi32>
    %add3A_219 = arith.addi %xor3A_215, %add3A_218 : vector<8x256x128xi32>
    %add3A_220 = arith.constant 1 : i32
    %add3A_221 = vector.broadcast %add3A_220 : i32 to vector<8x256x128xi32>
    %add3A_222 = arith.addi %add3A_219, %add3A_221 : vector<8x256x128xi32>
    %add3A_223 = arith.addi %add3A_217, %add3A_222 : vector<8x256x128xi32>
    %shift_left3A_224 = arith.constant 17 : i32
    %shift_left3A_225 = vector.broadcast %shift_left3A_224 : i32 to vector<8x256x128xi32>
    %shift_left3A_226 = arith.shli %add3A_222, %shift_left3A_225 : vector<8x256x128xi32>
    %shift_right_logical3A_227 = arith.constant 15 : i32
    %shift_right_logical3A_228 = vector.broadcast %shift_right_logical3A_227 : i32 to vector<8x256x128xi32>
    %shift_right_logical3A_229 = arith.shrui %add3A_222, %shift_right_logical3A_228 : vector<8x256x128xi32>
    %or3A_230 = arith.ori %shift_left3A_226, %shift_right_logical3A_229 : vector<8x256x128xi32>
    %xor3A_231 = arith.xori %add3A_223, %or3A_230 : vector<8x256x128xi32>
    %add3A_232 = arith.addi %add3A_223, %xor3A_231 : vector<8x256x128xi32>
    %shift_left3A_233 = arith.constant 29 : i32
    %shift_left3A_234 = vector.broadcast %shift_left3A_233 : i32 to vector<8x256x128xi32>
    %shift_left3A_235 = arith.shli %xor3A_231, %shift_left3A_234 : vector<8x256x128xi32>
    %shift_right_logical3A_236 = arith.constant 3 : i32
    %shift_right_logical3A_237 = vector.broadcast %shift_right_logical3A_236 : i32 to vector<8x256x128xi32>
    %shift_right_logical3A_238 = arith.shrui %xor3A_231, %shift_right_logical3A_237 : vector<8x256x128xi32>
    %or3A_239 = arith.ori %shift_left3A_235, %shift_right_logical3A_238 : vector<8x256x128xi32>
    %xor3A_240 = arith.xori %add3A_232, %or3A_239 : vector<8x256x128xi32>
    %add3A_241 = arith.addi %add3A_232, %xor3A_240 : vector<8x256x128xi32>
    %shift_left3A_242 = arith.constant 16 : i32
    %shift_left3A_243 = vector.broadcast %shift_left3A_242 : i32 to vector<8x256x128xi32>
    %shift_left3A_244 = arith.shli %xor3A_240, %shift_left3A_243 : vector<8x256x128xi32>
    %shift_right_logical3A_245 = arith.constant 16 : i32
    %shift_right_logical3A_246 = vector.broadcast %shift_right_logical3A_245 : i32 to vector<8x256x128xi32>
    %shift_right_logical3A_247 = arith.shrui %xor3A_240, %shift_right_logical3A_246 : vector<8x256x128xi32>
    %or3A_248 = arith.ori %shift_left3A_244, %shift_right_logical3A_247 : vector<8x256x128xi32>
    %xor3A_249 = arith.xori %add3A_241, %or3A_248 : vector<8x256x128xi32>
    %add3A_250 = arith.addi %add3A_241, %xor3A_249 : vector<8x256x128xi32>
    %shift_left3A_251 = arith.constant 24 : i32
    %shift_left3A_252 = vector.broadcast %shift_left3A_251 : i32 to vector<8x256x128xi32>
    %shift_left3A_253 = arith.shli %xor3A_249, %shift_left3A_252 : vector<8x256x128xi32>
    %shift_right_logical3A_254 = arith.constant 8 : i32
    %shift_right_logical3A_255 = vector.broadcast %shift_right_logical3A_254 : i32 to vector<8x256x128xi32>
    %shift_right_logical3A_256 = arith.shrui %xor3A_249, %shift_right_logical3A_255 : vector<8x256x128xi32>
    %or3A_257 = arith.ori %shift_left3A_253, %shift_right_logical3A_256 : vector<8x256x128xi32>
    %xor3A_258 = arith.xori %add3A_250, %or3A_257 : vector<8x256x128xi32>
    %add3A_259 = vector.broadcast %xor3A_181 : i32 to vector<8x256x128xi32>
    %add3A_260 = arith.addi %add3A_250, %add3A_259 : vector<8x256x128xi32>
    %add3A_261 = vector.broadcast %get3A_163 : i32 to vector<8x256x128xi32>
    %add3A_262 = arith.addi %xor3A_258, %add3A_261 : vector<8x256x128xi32>
    %add3A_263 = arith.constant 2 : i32
    %add3A_264 = vector.broadcast %add3A_263 : i32 to vector<8x256x128xi32>
    %add3A_265 = arith.addi %add3A_262, %add3A_264 : vector<8x256x128xi32>
    %add3A_266 = arith.addi %add3A_260, %add3A_265 : vector<8x256x128xi32>
    %shift_left3A_267 = arith.constant 13 : i32
    %shift_left3A_268 = vector.broadcast %shift_left3A_267 : i32 to vector<8x256x128xi32>
    %shift_left3A_269 = arith.shli %add3A_265, %shift_left3A_268 : vector<8x256x128xi32>
    %shift_right_logical3A_270 = arith.constant 19 : i32
    %shift_right_logical3A_271 = vector.broadcast %shift_right_logical3A_270 : i32 to vector<8x256x128xi32>
    %shift_right_logical3A_272 = arith.shrui %add3A_265, %shift_right_logical3A_271 : vector<8x256x128xi32>
    %or3A_273 = arith.ori %shift_left3A_269, %shift_right_logical3A_272 : vector<8x256x128xi32>
    %xor3A_274 = arith.xori %add3A_266, %or3A_273 : vector<8x256x128xi32>
    %add3A_275 = arith.addi %add3A_266, %xor3A_274 : vector<8x256x128xi32>
    %shift_left3A_276 = arith.constant 15 : i32
    %shift_left3A_277 = vector.broadcast %shift_left3A_276 : i32 to vector<8x256x128xi32>
    %shift_left3A_278 = arith.shli %xor3A_274, %shift_left3A_277 : vector<8x256x128xi32>
    %shift_right_logical3A_279 = arith.constant 17 : i32
    %shift_right_logical3A_280 = vector.broadcast %shift_right_logical3A_279 : i32 to vector<8x256x128xi32>
    %shift_right_logical3A_281 = arith.shrui %xor3A_274, %shift_right_logical3A_280 : vector<8x256x128xi32>
    %or3A_282 = arith.ori %shift_left3A_278, %shift_right_logical3A_281 : vector<8x256x128xi32>
    %xor3A_283 = arith.xori %add3A_275, %or3A_282 : vector<8x256x128xi32>
    %add3A_284 = arith.addi %add3A_275, %xor3A_283 : vector<8x256x128xi32>
    %shift_left3A_285 = arith.constant 26 : i32
    %shift_left3A_286 = vector.broadcast %shift_left3A_285 : i32 to vector<8x256x128xi32>
    %shift_left3A_287 = arith.shli %xor3A_283, %shift_left3A_286 : vector<8x256x128xi32>
    %shift_right_logical3A_288 = arith.constant 6 : i32
    %shift_right_logical3A_289 = vector.broadcast %shift_right_logical3A_288 : i32 to vector<8x256x128xi32>
    %shift_right_logical3A_290 = arith.shrui %xor3A_283, %shift_right_logical3A_289 : vector<8x256x128xi32>
    %or3A_291 = arith.ori %shift_left3A_287, %shift_right_logical3A_290 : vector<8x256x128xi32>
    %xor3A_292 = arith.xori %add3A_284, %or3A_291 : vector<8x256x128xi32>
    %add3A_293 = arith.addi %add3A_284, %xor3A_292 : vector<8x256x128xi32>
    %shift_left3A_294 = arith.constant 6 : i32
    %shift_left3A_295 = vector.broadcast %shift_left3A_294 : i32 to vector<8x256x128xi32>
    %shift_left3A_296 = arith.shli %xor3A_292, %shift_left3A_295 : vector<8x256x128xi32>
    %shift_right_logical3A_297 = arith.constant 26 : i32
    %shift_right_logical3A_298 = vector.broadcast %shift_right_logical3A_297 : i32 to vector<8x256x128xi32>
    %shift_right_logical3A_299 = arith.shrui %xor3A_292, %shift_right_logical3A_298 : vector<8x256x128xi32>
    %or3A_300 = arith.ori %shift_left3A_296, %shift_right_logical3A_299 : vector<8x256x128xi32>
    %xor3A_301 = arith.xori %add3A_293, %or3A_300 : vector<8x256x128xi32>
    %add3A_302 = vector.broadcast %get3A_163 : i32 to vector<8x256x128xi32>
    %add3A_303 = arith.addi %add3A_293, %add3A_302 : vector<8x256x128xi32>
    %add3A_304 = vector.broadcast %get3A_165 : i32 to vector<8x256x128xi32>
    %add3A_305 = arith.addi %xor3A_301, %add3A_304 : vector<8x256x128xi32>
    %add3A_306 = arith.constant 3 : i32
    %add3A_307 = vector.broadcast %add3A_306 : i32 to vector<8x256x128xi32>
    %add3A_308 = arith.addi %add3A_305, %add3A_307 : vector<8x256x128xi32>
    %add3A_309 = arith.addi %add3A_303, %add3A_308 : vector<8x256x128xi32>
    %shift_left3A_310 = arith.constant 17 : i32
    %shift_left3A_311 = vector.broadcast %shift_left3A_310 : i32 to vector<8x256x128xi32>
    %shift_left3A_312 = arith.shli %add3A_308, %shift_left3A_311 : vector<8x256x128xi32>
    %shift_right_logical3A_313 = arith.constant 15 : i32
    %shift_right_logical3A_314 = vector.broadcast %shift_right_logical3A_313 : i32 to vector<8x256x128xi32>
    %shift_right_logical3A_315 = arith.shrui %add3A_308, %shift_right_logical3A_314 : vector<8x256x128xi32>
    %or3A_316 = arith.ori %shift_left3A_312, %shift_right_logical3A_315 : vector<8x256x128xi32>
    %xor3A_317 = arith.xori %add3A_309, %or3A_316 : vector<8x256x128xi32>
    %add3A_318 = arith.addi %add3A_309, %xor3A_317 : vector<8x256x128xi32>
    %shift_left3A_319 = arith.constant 29 : i32
    %shift_left3A_320 = vector.broadcast %shift_left3A_319 : i32 to vector<8x256x128xi32>
    %shift_left3A_321 = arith.shli %xor3A_317, %shift_left3A_320 : vector<8x256x128xi32>
    %shift_right_logical3A_322 = arith.constant 3 : i32
    %shift_right_logical3A_323 = vector.broadcast %shift_right_logical3A_322 : i32 to vector<8x256x128xi32>
    %shift_right_logical3A_324 = arith.shrui %xor3A_317, %shift_right_logical3A_323 : vector<8x256x128xi32>
    %or3A_325 = arith.ori %shift_left3A_321, %shift_right_logical3A_324 : vector<8x256x128xi32>
    %xor3A_326 = arith.xori %add3A_318, %or3A_325 : vector<8x256x128xi32>
    %add3A_327 = arith.addi %add3A_318, %xor3A_326 : vector<8x256x128xi32>
    %shift_left3A_328 = arith.constant 16 : i32
    %shift_left3A_329 = vector.broadcast %shift_left3A_328 : i32 to vector<8x256x128xi32>
    %shift_left3A_330 = arith.shli %xor3A_326, %shift_left3A_329 : vector<8x256x128xi32>
    %shift_right_logical3A_331 = arith.constant 16 : i32
    %shift_right_logical3A_332 = vector.broadcast %shift_right_logical3A_331 : i32 to vector<8x256x128xi32>
    %shift_right_logical3A_333 = arith.shrui %xor3A_326, %shift_right_logical3A_332 : vector<8x256x128xi32>
    %or3A_334 = arith.ori %shift_left3A_330, %shift_right_logical3A_333 : vector<8x256x128xi32>
    %xor3A_335 = arith.xori %add3A_327, %or3A_334 : vector<8x256x128xi32>
    %add3A_336 = arith.addi %add3A_327, %xor3A_335 : vector<8x256x128xi32>
    %shift_left3A_337 = arith.constant 24 : i32
    %shift_left3A_338 = vector.broadcast %shift_left3A_337 : i32 to vector<8x256x128xi32>
    %shift_left3A_339 = arith.shli %xor3A_335, %shift_left3A_338 : vector<8x256x128xi32>
    %shift_right_logical3A_340 = arith.constant 8 : i32
    %shift_right_logical3A_341 = vector.broadcast %shift_right_logical3A_340 : i32 to vector<8x256x128xi32>
    %shift_right_logical3A_342 = arith.shrui %xor3A_335, %shift_right_logical3A_341 : vector<8x256x128xi32>
    %or3A_343 = arith.ori %shift_left3A_339, %shift_right_logical3A_342 : vector<8x256x128xi32>
    %xor3A_344 = arith.xori %add3A_336, %or3A_343 : vector<8x256x128xi32>
    %add3A_345 = vector.broadcast %get3A_165 : i32 to vector<8x256x128xi32>
    %add3A_346 = arith.addi %add3A_336, %add3A_345 : vector<8x256x128xi32>
    %add3A_347 = vector.broadcast %xor3A_181 : i32 to vector<8x256x128xi32>
    %add3A_348 = arith.addi %xor3A_344, %add3A_347 : vector<8x256x128xi32>
    %add3A_349 = arith.constant 4 : i32
    %add3A_350 = vector.broadcast %add3A_349 : i32 to vector<8x256x128xi32>
    %add3A_351 = arith.addi %add3A_348, %add3A_350 : vector<8x256x128xi32>
    %add3A_352 = arith.addi %add3A_346, %add3A_351 : vector<8x256x128xi32>
    %shift_left3A_353 = arith.constant 13 : i32
    %shift_left3A_354 = vector.broadcast %shift_left3A_353 : i32 to vector<8x256x128xi32>
    %shift_left3A_355 = arith.shli %add3A_351, %shift_left3A_354 : vector<8x256x128xi32>
    %shift_right_logical3A_356 = arith.constant 19 : i32
    %shift_right_logical3A_357 = vector.broadcast %shift_right_logical3A_356 : i32 to vector<8x256x128xi32>
    %shift_right_logical3A_358 = arith.shrui %add3A_351, %shift_right_logical3A_357 : vector<8x256x128xi32>
    %or3A_359 = arith.ori %shift_left3A_355, %shift_right_logical3A_358 : vector<8x256x128xi32>
    %xor3A_360 = arith.xori %add3A_352, %or3A_359 : vector<8x256x128xi32>
    %add3A_361 = arith.addi %add3A_352, %xor3A_360 : vector<8x256x128xi32>
    %shift_left3A_362 = arith.constant 15 : i32
    %shift_left3A_363 = vector.broadcast %shift_left3A_362 : i32 to vector<8x256x128xi32>
    %shift_left3A_364 = arith.shli %xor3A_360, %shift_left3A_363 : vector<8x256x128xi32>
    %shift_right_logical3A_365 = arith.constant 17 : i32
    %shift_right_logical3A_366 = vector.broadcast %shift_right_logical3A_365 : i32 to vector<8x256x128xi32>
    %shift_right_logical3A_367 = arith.shrui %xor3A_360, %shift_right_logical3A_366 : vector<8x256x128xi32>
    %or3A_368 = arith.ori %shift_left3A_364, %shift_right_logical3A_367 : vector<8x256x128xi32>
    %xor3A_369 = arith.xori %add3A_361, %or3A_368 : vector<8x256x128xi32>
    %add3A_370 = arith.addi %add3A_361, %xor3A_369 : vector<8x256x128xi32>
    %shift_left3A_371 = arith.constant 26 : i32
    %shift_left3A_372 = vector.broadcast %shift_left3A_371 : i32 to vector<8x256x128xi32>
    %shift_left3A_373 = arith.shli %xor3A_369, %shift_left3A_372 : vector<8x256x128xi32>
    %shift_right_logical3A_374 = arith.constant 6 : i32
    %shift_right_logical3A_375 = vector.broadcast %shift_right_logical3A_374 : i32 to vector<8x256x128xi32>
    %shift_right_logical3A_376 = arith.shrui %xor3A_369, %shift_right_logical3A_375 : vector<8x256x128xi32>
    %or3A_377 = arith.ori %shift_left3A_373, %shift_right_logical3A_376 : vector<8x256x128xi32>
    %xor3A_378 = arith.xori %add3A_370, %or3A_377 : vector<8x256x128xi32>
    %add3A_379 = arith.addi %add3A_370, %xor3A_378 : vector<8x256x128xi32>
    %shift_left3A_380 = arith.constant 6 : i32
    %shift_left3A_381 = vector.broadcast %shift_left3A_380 : i32 to vector<8x256x128xi32>
    %shift_left3A_382 = arith.shli %xor3A_378, %shift_left3A_381 : vector<8x256x128xi32>
    %shift_right_logical3A_383 = arith.constant 26 : i32
    %shift_right_logical3A_384 = vector.broadcast %shift_right_logical3A_383 : i32 to vector<8x256x128xi32>
    %shift_right_logical3A_385 = arith.shrui %xor3A_378, %shift_right_logical3A_384 : vector<8x256x128xi32>
    %or3A_386 = arith.ori %shift_left3A_382, %shift_right_logical3A_385 : vector<8x256x128xi32>
    %xor3A_387 = arith.xori %add3A_379, %or3A_386 : vector<8x256x128xi32>
    %add3A_388 = vector.broadcast %xor3A_181 : i32 to vector<8x256x128xi32>
    %add3A_389 = arith.addi %add3A_379, %add3A_388 : vector<8x256x128xi32>
    %add3A_390 = vector.broadcast %get3A_163 : i32 to vector<8x256x128xi32>
    %add3A_391 = arith.addi %xor3A_387, %add3A_390 : vector<8x256x128xi32>
    %add3A_392 = arith.constant 5 : i32
    %add3A_393 = vector.broadcast %add3A_392 : i32 to vector<8x256x128xi32>
    %add3A_394 = arith.addi %add3A_391, %add3A_393 : vector<8x256x128xi32>
    %xor3A_395 = arith.xori %add3A_389, %add3A_394 : vector<8x256x128xi32>
    %shift_right_logical3A_396 = arith.constant 9 : i32
    %shift_right_logical3A_397 = vector.broadcast %shift_right_logical3A_396 : i32 to vector<8x256x128xi32>
    %shift_right_logical3A_398 = arith.shrui %xor3A_395, %shift_right_logical3A_397 : vector<8x256x128xi32>
    %or3A_399 = arith.constant 1065353216 : i32
    %or3A_400 = vector.broadcast %or3A_399 : i32 to vector<8x256x128xi32>
    %or3A_401 = arith.ori %shift_right_logical3A_398, %or3A_400 : vector<8x256x128xi32>
    %bitcast_convert_type3A = tpu.bitcast %or3A_401 : vector<8x256x128xi32> -> vector<8x256x128xf32>
    %sub3A_402 = arith.constant 1.000000e+00 : f32
    %sub3A_403 = vector.broadcast %sub3A_402 : f32 to vector<8x256x128xf32>
    %sub3A_404 = arith.subf %bitcast_convert_type3A, %sub3A_403 : vector<8x256x128xf32>
    %add3A_405 = arith.constant 1.17549435E-38 : f32
    %add3A_406 = vector.broadcast %add3A_405 : f32 to vector<8x256x128xf32>
    %add3A_407 = arith.addf %sub3A_404, %add3A_406 : vector<8x256x128xf32>
    %log3A_408 = math.log %add3A_407 : vector<8x256x128xf32>
    %neg3A = arith.constant 0.000000e+00 : f32
    %neg3A_409 = vector.broadcast %neg3A : f32 to vector<8x256x128xf32>
    %neg3A_410 = arith.subf %neg3A_409, %log3A_408 : vector<8x256x128xf32>
    %log3A_411 = math.log %neg3A_410 : vector<8x256x128xf32>
    %neg3A_412 = arith.constant 0.000000e+00 : f32
    %neg3A_413 = vector.broadcast %neg3A_412 : f32 to vector<8x256x128xf32>
    %neg3A_414 = arith.subf %neg3A_413, %log3A_411 : vector<8x256x128xf32>
    %add3A_415 = arith.addf %log3A, %neg3A_414 : vector<8x256x128xf32>
    %reduce_max3A_416 = arith.constant dense<0xFF800000> : vector<8xf32>
    %reduce_max3A_417 = vector.multi_reduction <maximumf>, %add3A_415, %reduce_max3A_416 [1, 2] : vector<8x256x128xf32> to vector<8xf32>
    %broadcast_in_dim3A_418 = vector.shape_cast %reduce_max3A_417 : vector<8xf32> to vector<8x1x1xf32>
    %eq3A_419 = vector.broadcast %broadcast_in_dim3A_418 : vector<8x1x1xf32> to vector<8x256x128xf32>
    %eq3A_420 = arith.cmpf oeq, %add3A_415, %eq3A_419 : vector<8x256x128xf32>
    %jit3A_421 = arith.constant 32768 : i32
    %broadcast_in_dim3A_422 = vector.broadcast %jit3A_421 : i32 to vector<8x256x128xi32>
    %select_n3A_423 = arith.select %eq3A_420, %add3A_155, %broadcast_in_dim3A_422 : vector<8x256x128xi1>, vector<8x256x128xi32>
    %reduce_min3A_424 = arith.constant dense<2147483647> : vector<8xi32>
    %reduce_min3A_425 = vector.multi_reduction <minsi>, %select_n3A_423, %reduce_min3A_424 [1, 2] : vector<8x256x128xi32> to vector<8xi32>
    %add3A_426 = arith.constant 33554432 : i32
    %add3A_427 = vector.broadcast %add3A_426 : i32 to vector<8x256x128xi32>
    %add3A_428 = arith.addi %add3A_176, %add3A_427 : vector<8x256x128xi32>
    %xor3A_429 = arith.xori %get3A_163, %get3A_165 : i32
    %xor3A_430 = arith.constant 466688986 : i32
    %xor3A_431 = arith.xori %xor3A_429, %xor3A_430 : i32
    %broadcast_in_dim3A_432 = vector.broadcast %get3A_163 : i32 to vector<8x256x128xi32>
    %add3A_433 = arith.addi %broadcast_in_dim3A_432, %add3A_428 : vector<8x256x128xi32>
    %shift_left3A_434 = arith.constant 13 : i32
    %shift_left3A_435 = vector.broadcast %shift_left3A_434 : i32 to vector<8x256x128xi32>
    %shift_left3A_436 = arith.shli %add3A_428, %shift_left3A_435 : vector<8x256x128xi32>
    %shift_right_logical3A_437 = arith.constant 19 : i32
    %shift_right_logical3A_438 = vector.broadcast %shift_right_logical3A_437 : i32 to vector<8x256x128xi32>
    %shift_right_logical3A_439 = arith.shrui %add3A_428, %shift_right_logical3A_438 : vector<8x256x128xi32>
    %or3A_440 = arith.ori %shift_left3A_436, %shift_right_logical3A_439 : vector<8x256x128xi32>
    %xor3A_441 = arith.xori %add3A_433, %or3A_440 : vector<8x256x128xi32>
    %add3A_442 = arith.addi %add3A_433, %xor3A_441 : vector<8x256x128xi32>
    %shift_left3A_443 = arith.constant 15 : i32
    %shift_left3A_444 = vector.broadcast %shift_left3A_443 : i32 to vector<8x256x128xi32>
    %shift_left3A_445 = arith.shli %xor3A_441, %shift_left3A_444 : vector<8x256x128xi32>
    %shift_right_logical3A_446 = arith.constant 17 : i32
    %shift_right_logical3A_447 = vector.broadcast %shift_right_logical3A_446 : i32 to vector<8x256x128xi32>
    %shift_right_logical3A_448 = arith.shrui %xor3A_441, %shift_right_logical3A_447 : vector<8x256x128xi32>
    %or3A_449 = arith.ori %shift_left3A_445, %shift_right_logical3A_448 : vector<8x256x128xi32>
    %xor3A_450 = arith.xori %add3A_442, %or3A_449 : vector<8x256x128xi32>
    %add3A_451 = arith.addi %add3A_442, %xor3A_450 : vector<8x256x128xi32>
    %shift_left3A_452 = arith.constant 26 : i32
    %shift_left3A_453 = vector.broadcast %shift_left3A_452 : i32 to vector<8x256x128xi32>
    %shift_left3A_454 = arith.shli %xor3A_450, %shift_left3A_453 : vector<8x256x128xi32>
    %shift_right_logical3A_455 = arith.constant 6 : i32
    %shift_right_logical3A_456 = vector.broadcast %shift_right_logical3A_455 : i32 to vector<8x256x128xi32>
    %shift_right_logical3A_457 = arith.shrui %xor3A_450, %shift_right_logical3A_456 : vector<8x256x128xi32>
    %or3A_458 = arith.ori %shift_left3A_454, %shift_right_logical3A_457 : vector<8x256x128xi32>
    %xor3A_459 = arith.xori %add3A_451, %or3A_458 : vector<8x256x128xi32>
    %add3A_460 = arith.addi %add3A_451, %xor3A_459 : vector<8x256x128xi32>
    %shift_left3A_461 = arith.constant 6 : i32
    %shift_left3A_462 = vector.broadcast %shift_left3A_461 : i32 to vector<8x256x128xi32>
    %shift_left3A_463 = arith.shli %xor3A_459, %shift_left3A_462 : vector<8x256x128xi32>
    %shift_right_logical3A_464 = arith.constant 26 : i32
    %shift_right_logical3A_465 = vector.broadcast %shift_right_logical3A_464 : i32 to vector<8x256x128xi32>
    %shift_right_logical3A_466 = arith.shrui %xor3A_459, %shift_right_logical3A_465 : vector<8x256x128xi32>
    %or3A_467 = arith.ori %shift_left3A_463, %shift_right_logical3A_466 : vector<8x256x128xi32>
    %xor3A_468 = arith.xori %add3A_460, %or3A_467 : vector<8x256x128xi32>
    %add3A_469 = vector.broadcast %get3A_165 : i32 to vector<8x256x128xi32>
    %add3A_470 = arith.addi %add3A_460, %add3A_469 : vector<8x256x128xi32>
    %add3A_471 = vector.broadcast %xor3A_431 : i32 to vector<8x256x128xi32>
    %add3A_472 = arith.addi %xor3A_468, %add3A_471 : vector<8x256x128xi32>
    %add3A_473 = arith.constant 1 : i32
    %add3A_474 = vector.broadcast %add3A_473 : i32 to vector<8x256x128xi32>
    %add3A_475 = arith.addi %add3A_472, %add3A_474 : vector<8x256x128xi32>
    %add3A_476 = arith.addi %add3A_470, %add3A_475 : vector<8x256x128xi32>
    %shift_left3A_477 = arith.constant 17 : i32
    %shift_left3A_478 = vector.broadcast %shift_left3A_477 : i32 to vector<8x256x128xi32>
    %shift_left3A_479 = arith.shli %add3A_475, %shift_left3A_478 : vector<8x256x128xi32>
    %shift_right_logical3A_480 = arith.constant 15 : i32
    %shift_right_logical3A_481 = vector.broadcast %shift_right_logical3A_480 : i32 to vector<8x256x128xi32>
    %shift_right_logical3A_482 = arith.shrui %add3A_475, %shift_right_logical3A_481 : vector<8x256x128xi32>
    %or3A_483 = arith.ori %shift_left3A_479, %shift_right_logical3A_482 : vector<8x256x128xi32>
    %xor3A_484 = arith.xori %add3A_476, %or3A_483 : vector<8x256x128xi32>
    %add3A_485 = arith.addi %add3A_476, %xor3A_484 : vector<8x256x128xi32>
    %shift_left3A_486 = arith.constant 29 : i32
    %shift_left3A_487 = vector.broadcast %shift_left3A_486 : i32 to vector<8x256x128xi32>
    %shift_left3A_488 = arith.shli %xor3A_484, %shift_left3A_487 : vector<8x256x128xi32>
    %shift_right_logical3A_489 = arith.constant 3 : i32
    %shift_right_logical3A_490 = vector.broadcast %shift_right_logical3A_489 : i32 to vector<8x256x128xi32>
    %shift_right_logical3A_491 = arith.shrui %xor3A_484, %shift_right_logical3A_490 : vector<8x256x128xi32>
    %or3A_492 = arith.ori %shift_left3A_488, %shift_right_logical3A_491 : vector<8x256x128xi32>
    %xor3A_493 = arith.xori %add3A_485, %or3A_492 : vector<8x256x128xi32>
    %add3A_494 = arith.addi %add3A_485, %xor3A_493 : vector<8x256x128xi32>
    %shift_left3A_495 = arith.constant 16 : i32
    %shift_left3A_496 = vector.broadcast %shift_left3A_495 : i32 to vector<8x256x128xi32>
    %shift_left3A_497 = arith.shli %xor3A_493, %shift_left3A_496 : vector<8x256x128xi32>
    %shift_right_logical3A_498 = arith.constant 16 : i32
    %shift_right_logical3A_499 = vector.broadcast %shift_right_logical3A_498 : i32 to vector<8x256x128xi32>
    %shift_right_logical3A_500 = arith.shrui %xor3A_493, %shift_right_logical3A_499 : vector<8x256x128xi32>
    %or3A_501 = arith.ori %shift_left3A_497, %shift_right_logical3A_500 : vector<8x256x128xi32>
    %xor3A_502 = arith.xori %add3A_494, %or3A_501 : vector<8x256x128xi32>
    %add3A_503 = arith.addi %add3A_494, %xor3A_502 : vector<8x256x128xi32>
    %shift_left3A_504 = arith.constant 24 : i32
    %shift_left3A_505 = vector.broadcast %shift_left3A_504 : i32 to vector<8x256x128xi32>
    %shift_left3A_506 = arith.shli %xor3A_502, %shift_left3A_505 : vector<8x256x128xi32>
    %shift_right_logical3A_507 = arith.constant 8 : i32
    %shift_right_logical3A_508 = vector.broadcast %shift_right_logical3A_507 : i32 to vector<8x256x128xi32>
    %shift_right_logical3A_509 = arith.shrui %xor3A_502, %shift_right_logical3A_508 : vector<8x256x128xi32>
    %or3A_510 = arith.ori %shift_left3A_506, %shift_right_logical3A_509 : vector<8x256x128xi32>
    %xor3A_511 = arith.xori %add3A_503, %or3A_510 : vector<8x256x128xi32>
    %add3A_512 = vector.broadcast %xor3A_431 : i32 to vector<8x256x128xi32>
    %add3A_513 = arith.addi %add3A_503, %add3A_512 : vector<8x256x128xi32>
    %add3A_514 = vector.broadcast %get3A_163 : i32 to vector<8x256x128xi32>
    %add3A_515 = arith.addi %xor3A_511, %add3A_514 : vector<8x256x128xi32>
    %add3A_516 = arith.constant 2 : i32
    %add3A_517 = vector.broadcast %add3A_516 : i32 to vector<8x256x128xi32>
    %add3A_518 = arith.addi %add3A_515, %add3A_517 : vector<8x256x128xi32>
    %add3A_519 = arith.addi %add3A_513, %add3A_518 : vector<8x256x128xi32>
    %shift_left3A_520 = arith.constant 13 : i32
    %shift_left3A_521 = vector.broadcast %shift_left3A_520 : i32 to vector<8x256x128xi32>
    %shift_left3A_522 = arith.shli %add3A_518, %shift_left3A_521 : vector<8x256x128xi32>
    %shift_right_logical3A_523 = arith.constant 19 : i32
    %shift_right_logical3A_524 = vector.broadcast %shift_right_logical3A_523 : i32 to vector<8x256x128xi32>
    %shift_right_logical3A_525 = arith.shrui %add3A_518, %shift_right_logical3A_524 : vector<8x256x128xi32>
    %or3A_526 = arith.ori %shift_left3A_522, %shift_right_logical3A_525 : vector<8x256x128xi32>
    %xor3A_527 = arith.xori %add3A_519, %or3A_526 : vector<8x256x128xi32>
    %add3A_528 = arith.addi %add3A_519, %xor3A_527 : vector<8x256x128xi32>
    %shift_left3A_529 = arith.constant 15 : i32
    %shift_left3A_530 = vector.broadcast %shift_left3A_529 : i32 to vector<8x256x128xi32>
    %shift_left3A_531 = arith.shli %xor3A_527, %shift_left3A_530 : vector<8x256x128xi32>
    %shift_right_logical3A_532 = arith.constant 17 : i32
    %shift_right_logical3A_533 = vector.broadcast %shift_right_logical3A_532 : i32 to vector<8x256x128xi32>
    %shift_right_logical3A_534 = arith.shrui %xor3A_527, %shift_right_logical3A_533 : vector<8x256x128xi32>
    %or3A_535 = arith.ori %shift_left3A_531, %shift_right_logical3A_534 : vector<8x256x128xi32>
    %xor3A_536 = arith.xori %add3A_528, %or3A_535 : vector<8x256x128xi32>
    %add3A_537 = arith.addi %add3A_528, %xor3A_536 : vector<8x256x128xi32>
    %shift_left3A_538 = arith.constant 26 : i32
    %shift_left3A_539 = vector.broadcast %shift_left3A_538 : i32 to vector<8x256x128xi32>
    %shift_left3A_540 = arith.shli %xor3A_536, %shift_left3A_539 : vector<8x256x128xi32>
    %shift_right_logical3A_541 = arith.constant 6 : i32
    %shift_right_logical3A_542 = vector.broadcast %shift_right_logical3A_541 : i32 to vector<8x256x128xi32>
    %shift_right_logical3A_543 = arith.shrui %xor3A_536, %shift_right_logical3A_542 : vector<8x256x128xi32>
    %or3A_544 = arith.ori %shift_left3A_540, %shift_right_logical3A_543 : vector<8x256x128xi32>
    %xor3A_545 = arith.xori %add3A_537, %or3A_544 : vector<8x256x128xi32>
    %add3A_546 = arith.addi %add3A_537, %xor3A_545 : vector<8x256x128xi32>
    %shift_left3A_547 = arith.constant 6 : i32
    %shift_left3A_548 = vector.broadcast %shift_left3A_547 : i32 to vector<8x256x128xi32>
    %shift_left3A_549 = arith.shli %xor3A_545, %shift_left3A_548 : vector<8x256x128xi32>
    %shift_right_logical3A_550 = arith.constant 26 : i32
    %shift_right_logical3A_551 = vector.broadcast %shift_right_logical3A_550 : i32 to vector<8x256x128xi32>
    %shift_right_logical3A_552 = arith.shrui %xor3A_545, %shift_right_logical3A_551 : vector<8x256x128xi32>
    %or3A_553 = arith.ori %shift_left3A_549, %shift_right_logical3A_552 : vector<8x256x128xi32>
    %xor3A_554 = arith.xori %add3A_546, %or3A_553 : vector<8x256x128xi32>
    %add3A_555 = vector.broadcast %get3A_163 : i32 to vector<8x256x128xi32>
    %add3A_556 = arith.addi %add3A_546, %add3A_555 : vector<8x256x128xi32>
    %add3A_557 = vector.broadcast %get3A_165 : i32 to vector<8x256x128xi32>
    %add3A_558 = arith.addi %xor3A_554, %add3A_557 : vector<8x256x128xi32>
    %add3A_559 = arith.constant 3 : i32
    %add3A_560 = vector.broadcast %add3A_559 : i32 to vector<8x256x128xi32>
    %add3A_561 = arith.addi %add3A_558, %add3A_560 : vector<8x256x128xi32>
    %add3A_562 = arith.addi %add3A_556, %add3A_561 : vector<8x256x128xi32>
    %shift_left3A_563 = arith.constant 17 : i32
    %shift_left3A_564 = vector.broadcast %shift_left3A_563 : i32 to vector<8x256x128xi32>
    %shift_left3A_565 = arith.shli %add3A_561, %shift_left3A_564 : vector<8x256x128xi32>
    %shift_right_logical3A_566 = arith.constant 15 : i32
    %shift_right_logical3A_567 = vector.broadcast %shift_right_logical3A_566 : i32 to vector<8x256x128xi32>
    %shift_right_logical3A_568 = arith.shrui %add3A_561, %shift_right_logical3A_567 : vector<8x256x128xi32>
    %or3A_569 = arith.ori %shift_left3A_565, %shift_right_logical3A_568 : vector<8x256x128xi32>
    %xor3A_570 = arith.xori %add3A_562, %or3A_569 : vector<8x256x128xi32>
    %add3A_571 = arith.addi %add3A_562, %xor3A_570 : vector<8x256x128xi32>
    %shift_left3A_572 = arith.constant 29 : i32
    %shift_left3A_573 = vector.broadcast %shift_left3A_572 : i32 to vector<8x256x128xi32>
    %shift_left3A_574 = arith.shli %xor3A_570, %shift_left3A_573 : vector<8x256x128xi32>
    %shift_right_logical3A_575 = arith.constant 3 : i32
    %shift_right_logical3A_576 = vector.broadcast %shift_right_logical3A_575 : i32 to vector<8x256x128xi32>
    %shift_right_logical3A_577 = arith.shrui %xor3A_570, %shift_right_logical3A_576 : vector<8x256x128xi32>
    %or3A_578 = arith.ori %shift_left3A_574, %shift_right_logical3A_577 : vector<8x256x128xi32>
    %xor3A_579 = arith.xori %add3A_571, %or3A_578 : vector<8x256x128xi32>
    %add3A_580 = arith.addi %add3A_571, %xor3A_579 : vector<8x256x128xi32>
    %shift_left3A_581 = arith.constant 16 : i32
    %shift_left3A_582 = vector.broadcast %shift_left3A_581 : i32 to vector<8x256x128xi32>
    %shift_left3A_583 = arith.shli %xor3A_579, %shift_left3A_582 : vector<8x256x128xi32>
    %shift_right_logical3A_584 = arith.constant 16 : i32
    %shift_right_logical3A_585 = vector.broadcast %shift_right_logical3A_584 : i32 to vector<8x256x128xi32>
    %shift_right_logical3A_586 = arith.shrui %xor3A_579, %shift_right_logical3A_585 : vector<8x256x128xi32>
    %or3A_587 = arith.ori %shift_left3A_583, %shift_right_logical3A_586 : vector<8x256x128xi32>
    %xor3A_588 = arith.xori %add3A_580, %or3A_587 : vector<8x256x128xi32>
    %add3A_589 = arith.addi %add3A_580, %xor3A_588 : vector<8x256x128xi32>
    %shift_left3A_590 = arith.constant 24 : i32
    %shift_left3A_591 = vector.broadcast %shift_left3A_590 : i32 to vector<8x256x128xi32>
    %shift_left3A_592 = arith.shli %xor3A_588, %shift_left3A_591 : vector<8x256x128xi32>
    %shift_right_logical3A_593 = arith.constant 8 : i32
    %shift_right_logical3A_594 = vector.broadcast %shift_right_logical3A_593 : i32 to vector<8x256x128xi32>
    %shift_right_logical3A_595 = arith.shrui %xor3A_588, %shift_right_logical3A_594 : vector<8x256x128xi32>
    %or3A_596 = arith.ori %shift_left3A_592, %shift_right_logical3A_595 : vector<8x256x128xi32>
    %xor3A_597 = arith.xori %add3A_589, %or3A_596 : vector<8x256x128xi32>
    %add3A_598 = vector.broadcast %get3A_165 : i32 to vector<8x256x128xi32>
    %add3A_599 = arith.addi %add3A_589, %add3A_598 : vector<8x256x128xi32>
    %add3A_600 = vector.broadcast %xor3A_431 : i32 to vector<8x256x128xi32>
    %add3A_601 = arith.addi %xor3A_597, %add3A_600 : vector<8x256x128xi32>
    %add3A_602 = arith.constant 4 : i32
    %add3A_603 = vector.broadcast %add3A_602 : i32 to vector<8x256x128xi32>
    %add3A_604 = arith.addi %add3A_601, %add3A_603 : vector<8x256x128xi32>
    %add3A_605 = arith.addi %add3A_599, %add3A_604 : vector<8x256x128xi32>
    %shift_left3A_606 = arith.constant 13 : i32
    %shift_left3A_607 = vector.broadcast %shift_left3A_606 : i32 to vector<8x256x128xi32>
    %shift_left3A_608 = arith.shli %add3A_604, %shift_left3A_607 : vector<8x256x128xi32>
    %shift_right_logical3A_609 = arith.constant 19 : i32
    %shift_right_logical3A_610 = vector.broadcast %shift_right_logical3A_609 : i32 to vector<8x256x128xi32>
    %shift_right_logical3A_611 = arith.shrui %add3A_604, %shift_right_logical3A_610 : vector<8x256x128xi32>
    %or3A_612 = arith.ori %shift_left3A_608, %shift_right_logical3A_611 : vector<8x256x128xi32>
    %xor3A_613 = arith.xori %add3A_605, %or3A_612 : vector<8x256x128xi32>
    %add3A_614 = arith.addi %add3A_605, %xor3A_613 : vector<8x256x128xi32>
    %shift_left3A_615 = arith.constant 15 : i32
    %shift_left3A_616 = vector.broadcast %shift_left3A_615 : i32 to vector<8x256x128xi32>
    %shift_left3A_617 = arith.shli %xor3A_613, %shift_left3A_616 : vector<8x256x128xi32>
    %shift_right_logical3A_618 = arith.constant 17 : i32
    %shift_right_logical3A_619 = vector.broadcast %shift_right_logical3A_618 : i32 to vector<8x256x128xi32>
    %shift_right_logical3A_620 = arith.shrui %xor3A_613, %shift_right_logical3A_619 : vector<8x256x128xi32>
    %or3A_621 = arith.ori %shift_left3A_617, %shift_right_logical3A_620 : vector<8x256x128xi32>
    %xor3A_622 = arith.xori %add3A_614, %or3A_621 : vector<8x256x128xi32>
    %add3A_623 = arith.addi %add3A_614, %xor3A_622 : vector<8x256x128xi32>
    %shift_left3A_624 = arith.constant 26 : i32
    %shift_left3A_625 = vector.broadcast %shift_left3A_624 : i32 to vector<8x256x128xi32>
    %shift_left3A_626 = arith.shli %xor3A_622, %shift_left3A_625 : vector<8x256x128xi32>
    %shift_right_logical3A_627 = arith.constant 6 : i32
    %shift_right_logical3A_628 = vector.broadcast %shift_right_logical3A_627 : i32 to vector<8x256x128xi32>
    %shift_right_logical3A_629 = arith.shrui %xor3A_622, %shift_right_logical3A_628 : vector<8x256x128xi32>
    %or3A_630 = arith.ori %shift_left3A_626, %shift_right_logical3A_629 : vector<8x256x128xi32>
    %xor3A_631 = arith.xori %add3A_623, %or3A_630 : vector<8x256x128xi32>
    %add3A_632 = arith.addi %add3A_623, %xor3A_631 : vector<8x256x128xi32>
    %shift_left3A_633 = arith.constant 6 : i32
    %shift_left3A_634 = vector.broadcast %shift_left3A_633 : i32 to vector<8x256x128xi32>
    %shift_left3A_635 = arith.shli %xor3A_631, %shift_left3A_634 : vector<8x256x128xi32>
    %shift_right_logical3A_636 = arith.constant 26 : i32
    %shift_right_logical3A_637 = vector.broadcast %shift_right_logical3A_636 : i32 to vector<8x256x128xi32>
    %shift_right_logical3A_638 = arith.shrui %xor3A_631, %shift_right_logical3A_637 : vector<8x256x128xi32>
    %or3A_639 = arith.ori %shift_left3A_635, %shift_right_logical3A_638 : vector<8x256x128xi32>
    %xor3A_640 = arith.xori %add3A_632, %or3A_639 : vector<8x256x128xi32>
    %add3A_641 = vector.broadcast %xor3A_431 : i32 to vector<8x256x128xi32>
    %add3A_642 = arith.addi %add3A_632, %add3A_641 : vector<8x256x128xi32>
    %add3A_643 = vector.broadcast %get3A_163 : i32 to vector<8x256x128xi32>
    %add3A_644 = arith.addi %xor3A_640, %add3A_643 : vector<8x256x128xi32>
    %add3A_645 = arith.constant 5 : i32
    %add3A_646 = vector.broadcast %add3A_645 : i32 to vector<8x256x128xi32>
    %add3A_647 = arith.addi %add3A_644, %add3A_646 : vector<8x256x128xi32>
    %xor3A_648 = arith.xori %add3A_642, %add3A_647 : vector<8x256x128xi32>
    %shift_right_logical3A_649 = arith.constant 9 : i32
    %shift_right_logical3A_650 = vector.broadcast %shift_right_logical3A_649 : i32 to vector<8x256x128xi32>
    %shift_right_logical3A_651 = arith.shrui %xor3A_648, %shift_right_logical3A_650 : vector<8x256x128xi32>
    %or3A_652 = arith.constant 1065353216 : i32
    %or3A_653 = vector.broadcast %or3A_652 : i32 to vector<8x256x128xi32>
    %or3A_654 = arith.ori %shift_right_logical3A_651, %or3A_653 : vector<8x256x128xi32>
    %bitcast_convert_type3A_655 = tpu.bitcast %or3A_654 : vector<8x256x128xi32> -> vector<8x256x128xf32>
    %sub3A_656 = arith.constant 1.000000e+00 : f32
    %sub3A_657 = vector.broadcast %sub3A_656 : f32 to vector<8x256x128xf32>
    %sub3A_658 = arith.subf %bitcast_convert_type3A_655, %sub3A_657 : vector<8x256x128xf32>
    %add3A_659 = arith.constant 1.17549435E-38 : f32
    %add3A_660 = vector.broadcast %add3A_659 : f32 to vector<8x256x128xf32>
    %add3A_661 = arith.addf %sub3A_658, %add3A_660 : vector<8x256x128xf32>
    %log3A_662 = math.log %add3A_661 : vector<8x256x128xf32>
    %neg3A_663 = arith.constant 0.000000e+00 : f32
    %neg3A_664 = vector.broadcast %neg3A_663 : f32 to vector<8x256x128xf32>
    %neg3A_665 = arith.subf %neg3A_664, %log3A_662 : vector<8x256x128xf32>
    %log3A_666 = math.log %neg3A_665 : vector<8x256x128xf32>
    %neg3A_667 = arith.constant 0.000000e+00 : f32
    %neg3A_668 = vector.broadcast %neg3A_667 : f32 to vector<8x256x128xf32>
    %neg3A_669 = arith.subf %neg3A_668, %log3A_666 : vector<8x256x128xf32>
    %add3A_670 = arith.addf %log3A, %neg3A_669 : vector<8x256x128xf32>
    %reduce_max3A_671 = arith.constant dense<0xFF800000> : vector<8xf32>
    %reduce_max3A_672 = vector.multi_reduction <maximumf>, %add3A_670, %reduce_max3A_671 [1, 2] : vector<8x256x128xf32> to vector<8xf32>
    %broadcast_in_dim3A_673 = vector.shape_cast %reduce_max3A_672 : vector<8xf32> to vector<8x1x1xf32>
    %eq3A_674 = vector.broadcast %broadcast_in_dim3A_673 : vector<8x1x1xf32> to vector<8x256x128xf32>
    %eq3A_675 = arith.cmpf oeq, %add3A_670, %eq3A_674 : vector<8x256x128xf32>
    %jit3A_676 = arith.constant 32768 : i32
    %broadcast_in_dim3A_677 = vector.broadcast %jit3A_676 : i32 to vector<8x256x128xi32>
    %select_n3A_678 = arith.select %eq3A_675, %add3A_155, %broadcast_in_dim3A_677 : vector<8x256x128xi1>, vector<8x256x128xi32>
    %reduce_min3A_679 = arith.constant dense<2147483647> : vector<8xi32>
    %reduce_min3A_680 = vector.multi_reduction <minsi>, %select_n3A_678, %reduce_min3A_679 [1, 2] : vector<8x256x128xi32> to vector<8xi32>
    %add3A_681 = arith.constant 67108864 : i32
    %add3A_682 = vector.broadcast %add3A_681 : i32 to vector<8x256x128xi32>
    %add3A_683 = arith.addi %add3A_176, %add3A_682 : vector<8x256x128xi32>
    %xor3A_684 = arith.xori %get3A_163, %get3A_165 : i32
    %xor3A_685 = arith.constant 466688986 : i32
    %xor3A_686 = arith.xori %xor3A_684, %xor3A_685 : i32
    %broadcast_in_dim3A_687 = vector.broadcast %get3A_163 : i32 to vector<8x256x128xi32>
    %add3A_688 = arith.addi %broadcast_in_dim3A_687, %add3A_683 : vector<8x256x128xi32>
    %shift_left3A_689 = arith.constant 13 : i32
    %shift_left3A_690 = vector.broadcast %shift_left3A_689 : i32 to vector<8x256x128xi32>
    %shift_left3A_691 = arith.shli %add3A_683, %shift_left3A_690 : vector<8x256x128xi32>
    %shift_right_logical3A_692 = arith.constant 19 : i32
    %shift_right_logical3A_693 = vector.broadcast %shift_right_logical3A_692 : i32 to vector<8x256x128xi32>
    %shift_right_logical3A_694 = arith.shrui %add3A_683, %shift_right_logical3A_693 : vector<8x256x128xi32>
    %or3A_695 = arith.ori %shift_left3A_691, %shift_right_logical3A_694 : vector<8x256x128xi32>
    %xor3A_696 = arith.xori %add3A_688, %or3A_695 : vector<8x256x128xi32>
    %add3A_697 = arith.addi %add3A_688, %xor3A_696 : vector<8x256x128xi32>
    %shift_left3A_698 = arith.constant 15 : i32
    %shift_left3A_699 = vector.broadcast %shift_left3A_698 : i32 to vector<8x256x128xi32>
    %shift_left3A_700 = arith.shli %xor3A_696, %shift_left3A_699 : vector<8x256x128xi32>
    %shift_right_logical3A_701 = arith.constant 17 : i32
    %shift_right_logical3A_702 = vector.broadcast %shift_right_logical3A_701 : i32 to vector<8x256x128xi32>
    %shift_right_logical3A_703 = arith.shrui %xor3A_696, %shift_right_logical3A_702 : vector<8x256x128xi32>
    %or3A_704 = arith.ori %shift_left3A_700, %shift_right_logical3A_703 : vector<8x256x128xi32>
    %xor3A_705 = arith.xori %add3A_697, %or3A_704 : vector<8x256x128xi32>
    %add3A_706 = arith.addi %add3A_697, %xor3A_705 : vector<8x256x128xi32>
    %shift_left3A_707 = arith.constant 26 : i32
    %shift_left3A_708 = vector.broadcast %shift_left3A_707 : i32 to vector<8x256x128xi32>
    %shift_left3A_709 = arith.shli %xor3A_705, %shift_left3A_708 : vector<8x256x128xi32>
    %shift_right_logical3A_710 = arith.constant 6 : i32
    %shift_right_logical3A_711 = vector.broadcast %shift_right_logical3A_710 : i32 to vector<8x256x128xi32>
    %shift_right_logical3A_712 = arith.shrui %xor3A_705, %shift_right_logical3A_711 : vector<8x256x128xi32>
    %or3A_713 = arith.ori %shift_left3A_709, %shift_right_logical3A_712 : vector<8x256x128xi32>
    %xor3A_714 = arith.xori %add3A_706, %or3A_713 : vector<8x256x128xi32>
    %add3A_715 = arith.addi %add3A_706, %xor3A_714 : vector<8x256x128xi32>
    %shift_left3A_716 = arith.constant 6 : i32
    %shift_left3A_717 = vector.broadcast %shift_left3A_716 : i32 to vector<8x256x128xi32>
    %shift_left3A_718 = arith.shli %xor3A_714, %shift_left3A_717 : vector<8x256x128xi32>
    %shift_right_logical3A_719 = arith.constant 26 : i32
    %shift_right_logical3A_720 = vector.broadcast %shift_right_logical3A_719 : i32 to vector<8x256x128xi32>
    %shift_right_logical3A_721 = arith.shrui %xor3A_714, %shift_right_logical3A_720 : vector<8x256x128xi32>
    %or3A_722 = arith.ori %shift_left3A_718, %shift_right_logical3A_721 : vector<8x256x128xi32>
    %xor3A_723 = arith.xori %add3A_715, %or3A_722 : vector<8x256x128xi32>
    %add3A_724 = vector.broadcast %get3A_165 : i32 to vector<8x256x128xi32>
    %add3A_725 = arith.addi %add3A_715, %add3A_724 : vector<8x256x128xi32>
    %add3A_726 = vector.broadcast %xor3A_686 : i32 to vector<8x256x128xi32>
    %add3A_727 = arith.addi %xor3A_723, %add3A_726 : vector<8x256x128xi32>
    %add3A_728 = arith.constant 1 : i32
    %add3A_729 = vector.broadcast %add3A_728 : i32 to vector<8x256x128xi32>
    %add3A_730 = arith.addi %add3A_727, %add3A_729 : vector<8x256x128xi32>
    %add3A_731 = arith.addi %add3A_725, %add3A_730 : vector<8x256x128xi32>
    %shift_left3A_732 = arith.constant 17 : i32
    %shift_left3A_733 = vector.broadcast %shift_left3A_732 : i32 to vector<8x256x128xi32>
    %shift_left3A_734 = arith.shli %add3A_730, %shift_left3A_733 : vector<8x256x128xi32>
    %shift_right_logical3A_735 = arith.constant 15 : i32
    %shift_right_logical3A_736 = vector.broadcast %shift_right_logical3A_735 : i32 to vector<8x256x128xi32>
    %shift_right_logical3A_737 = arith.shrui %add3A_730, %shift_right_logical3A_736 : vector<8x256x128xi32>
    %or3A_738 = arith.ori %shift_left3A_734, %shift_right_logical3A_737 : vector<8x256x128xi32>
    %xor3A_739 = arith.xori %add3A_731, %or3A_738 : vector<8x256x128xi32>
    %add3A_740 = arith.addi %add3A_731, %xor3A_739 : vector<8x256x128xi32>
    %shift_left3A_741 = arith.constant 29 : i32
    %shift_left3A_742 = vector.broadcast %shift_left3A_741 : i32 to vector<8x256x128xi32>
    %shift_left3A_743 = arith.shli %xor3A_739, %shift_left3A_742 : vector<8x256x128xi32>
    %shift_right_logical3A_744 = arith.constant 3 : i32
    %shift_right_logical3A_745 = vector.broadcast %shift_right_logical3A_744 : i32 to vector<8x256x128xi32>
    %shift_right_logical3A_746 = arith.shrui %xor3A_739, %shift_right_logical3A_745 : vector<8x256x128xi32>
    %or3A_747 = arith.ori %shift_left3A_743, %shift_right_logical3A_746 : vector<8x256x128xi32>
    %xor3A_748 = arith.xori %add3A_740, %or3A_747 : vector<8x256x128xi32>
    %add3A_749 = arith.addi %add3A_740, %xor3A_748 : vector<8x256x128xi32>
    %shift_left3A_750 = arith.constant 16 : i32
    %shift_left3A_751 = vector.broadcast %shift_left3A_750 : i32 to vector<8x256x128xi32>
    %shift_left3A_752 = arith.shli %xor3A_748, %shift_left3A_751 : vector<8x256x128xi32>
    %shift_right_logical3A_753 = arith.constant 16 : i32
    %shift_right_logical3A_754 = vector.broadcast %shift_right_logical3A_753 : i32 to vector<8x256x128xi32>
    %shift_right_logical3A_755 = arith.shrui %xor3A_748, %shift_right_logical3A_754 : vector<8x256x128xi32>
    %or3A_756 = arith.ori %shift_left3A_752, %shift_right_logical3A_755 : vector<8x256x128xi32>
    %xor3A_757 = arith.xori %add3A_749, %or3A_756 : vector<8x256x128xi32>
    %add3A_758 = arith.addi %add3A_749, %xor3A_757 : vector<8x256x128xi32>
    %shift_left3A_759 = arith.constant 24 : i32
    %shift_left3A_760 = vector.broadcast %shift_left3A_759 : i32 to vector<8x256x128xi32>
    %shift_left3A_761 = arith.shli %xor3A_757, %shift_left3A_760 : vector<8x256x128xi32>
    %shift_right_logical3A_762 = arith.constant 8 : i32
    %shift_right_logical3A_763 = vector.broadcast %shift_right_logical3A_762 : i32 to vector<8x256x128xi32>
    %shift_right_logical3A_764 = arith.shrui %xor3A_757, %shift_right_logical3A_763 : vector<8x256x128xi32>
    %or3A_765 = arith.ori %shift_left3A_761, %shift_right_logical3A_764 : vector<8x256x128xi32>
    %xor3A_766 = arith.xori %add3A_758, %or3A_765 : vector<8x256x128xi32>
    %add3A_767 = vector.broadcast %xor3A_686 : i32 to vector<8x256x128xi32>
    %add3A_768 = arith.addi %add3A_758, %add3A_767 : vector<8x256x128xi32>
    %add3A_769 = vector.broadcast %get3A_163 : i32 to vector<8x256x128xi32>
    %add3A_770 = arith.addi %xor3A_766, %add3A_769 : vector<8x256x128xi32>
    %add3A_771 = arith.constant 2 : i32
    %add3A_772 = vector.broadcast %add3A_771 : i32 to vector<8x256x128xi32>
    %add3A_773 = arith.addi %add3A_770, %add3A_772 : vector<8x256x128xi32>
    %add3A_774 = arith.addi %add3A_768, %add3A_773 : vector<8x256x128xi32>
    %shift_left3A_775 = arith.constant 13 : i32
    %shift_left3A_776 = vector.broadcast %shift_left3A_775 : i32 to vector<8x256x128xi32>
    %shift_left3A_777 = arith.shli %add3A_773, %shift_left3A_776 : vector<8x256x128xi32>
    %shift_right_logical3A_778 = arith.constant 19 : i32
    %shift_right_logical3A_779 = vector.broadcast %shift_right_logical3A_778 : i32 to vector<8x256x128xi32>
    %shift_right_logical3A_780 = arith.shrui %add3A_773, %shift_right_logical3A_779 : vector<8x256x128xi32>
    %or3A_781 = arith.ori %shift_left3A_777, %shift_right_logical3A_780 : vector<8x256x128xi32>
    %xor3A_782 = arith.xori %add3A_774, %or3A_781 : vector<8x256x128xi32>
    %add3A_783 = arith.addi %add3A_774, %xor3A_782 : vector<8x256x128xi32>
    %shift_left3A_784 = arith.constant 15 : i32
    %shift_left3A_785 = vector.broadcast %shift_left3A_784 : i32 to vector<8x256x128xi32>
    %shift_left3A_786 = arith.shli %xor3A_782, %shift_left3A_785 : vector<8x256x128xi32>
    %shift_right_logical3A_787 = arith.constant 17 : i32
    %shift_right_logical3A_788 = vector.broadcast %shift_right_logical3A_787 : i32 to vector<8x256x128xi32>
    %shift_right_logical3A_789 = arith.shrui %xor3A_782, %shift_right_logical3A_788 : vector<8x256x128xi32>
    %or3A_790 = arith.ori %shift_left3A_786, %shift_right_logical3A_789 : vector<8x256x128xi32>
    %xor3A_791 = arith.xori %add3A_783, %or3A_790 : vector<8x256x128xi32>
    %add3A_792 = arith.addi %add3A_783, %xor3A_791 : vector<8x256x128xi32>
    %shift_left3A_793 = arith.constant 26 : i32
    %shift_left3A_794 = vector.broadcast %shift_left3A_793 : i32 to vector<8x256x128xi32>
    %shift_left3A_795 = arith.shli %xor3A_791, %shift_left3A_794 : vector<8x256x128xi32>
    %shift_right_logical3A_796 = arith.constant 6 : i32
    %shift_right_logical3A_797 = vector.broadcast %shift_right_logical3A_796 : i32 to vector<8x256x128xi32>
    %shift_right_logical3A_798 = arith.shrui %xor3A_791, %shift_right_logical3A_797 : vector<8x256x128xi32>
    %or3A_799 = arith.ori %shift_left3A_795, %shift_right_logical3A_798 : vector<8x256x128xi32>
    %xor3A_800 = arith.xori %add3A_792, %or3A_799 : vector<8x256x128xi32>
    %add3A_801 = arith.addi %add3A_792, %xor3A_800 : vector<8x256x128xi32>
    %shift_left3A_802 = arith.constant 6 : i32
    %shift_left3A_803 = vector.broadcast %shift_left3A_802 : i32 to vector<8x256x128xi32>
    %shift_left3A_804 = arith.shli %xor3A_800, %shift_left3A_803 : vector<8x256x128xi32>
    %shift_right_logical3A_805 = arith.constant 26 : i32
    %shift_right_logical3A_806 = vector.broadcast %shift_right_logical3A_805 : i32 to vector<8x256x128xi32>
    %shift_right_logical3A_807 = arith.shrui %xor3A_800, %shift_right_logical3A_806 : vector<8x256x128xi32>
    %or3A_808 = arith.ori %shift_left3A_804, %shift_right_logical3A_807 : vector<8x256x128xi32>
    %xor3A_809 = arith.xori %add3A_801, %or3A_808 : vector<8x256x128xi32>
    %add3A_810 = vector.broadcast %get3A_163 : i32 to vector<8x256x128xi32>
    %add3A_811 = arith.addi %add3A_801, %add3A_810 : vector<8x256x128xi32>
    %add3A_812 = vector.broadcast %get3A_165 : i32 to vector<8x256x128xi32>
    %add3A_813 = arith.addi %xor3A_809, %add3A_812 : vector<8x256x128xi32>
    %add3A_814 = arith.constant 3 : i32
    %add3A_815 = vector.broadcast %add3A_814 : i32 to vector<8x256x128xi32>
    %add3A_816 = arith.addi %add3A_813, %add3A_815 : vector<8x256x128xi32>
    %add3A_817 = arith.addi %add3A_811, %add3A_816 : vector<8x256x128xi32>
    %shift_left3A_818 = arith.constant 17 : i32
    %shift_left3A_819 = vector.broadcast %shift_left3A_818 : i32 to vector<8x256x128xi32>
    %shift_left3A_820 = arith.shli %add3A_816, %shift_left3A_819 : vector<8x256x128xi32>
    %shift_right_logical3A_821 = arith.constant 15 : i32
    %shift_right_logical3A_822 = vector.broadcast %shift_right_logical3A_821 : i32 to vector<8x256x128xi32>
    %shift_right_logical3A_823 = arith.shrui %add3A_816, %shift_right_logical3A_822 : vector<8x256x128xi32>
    %or3A_824 = arith.ori %shift_left3A_820, %shift_right_logical3A_823 : vector<8x256x128xi32>
    %xor3A_825 = arith.xori %add3A_817, %or3A_824 : vector<8x256x128xi32>
    %add3A_826 = arith.addi %add3A_817, %xor3A_825 : vector<8x256x128xi32>
    %shift_left3A_827 = arith.constant 29 : i32
    %shift_left3A_828 = vector.broadcast %shift_left3A_827 : i32 to vector<8x256x128xi32>
    %shift_left3A_829 = arith.shli %xor3A_825, %shift_left3A_828 : vector<8x256x128xi32>
    %shift_right_logical3A_830 = arith.constant 3 : i32
    %shift_right_logical3A_831 = vector.broadcast %shift_right_logical3A_830 : i32 to vector<8x256x128xi32>
    %shift_right_logical3A_832 = arith.shrui %xor3A_825, %shift_right_logical3A_831 : vector<8x256x128xi32>
    %or3A_833 = arith.ori %shift_left3A_829, %shift_right_logical3A_832 : vector<8x256x128xi32>
    %xor3A_834 = arith.xori %add3A_826, %or3A_833 : vector<8x256x128xi32>
    %add3A_835 = arith.addi %add3A_826, %xor3A_834 : vector<8x256x128xi32>
    %shift_left3A_836 = arith.constant 16 : i32
    %shift_left3A_837 = vector.broadcast %shift_left3A_836 : i32 to vector<8x256x128xi32>
    %shift_left3A_838 = arith.shli %xor3A_834, %shift_left3A_837 : vector<8x256x128xi32>
    %shift_right_logical3A_839 = arith.constant 16 : i32
    %shift_right_logical3A_840 = vector.broadcast %shift_right_logical3A_839 : i32 to vector<8x256x128xi32>
    %shift_right_logical3A_841 = arith.shrui %xor3A_834, %shift_right_logical3A_840 : vector<8x256x128xi32>
    %or3A_842 = arith.ori %shift_left3A_838, %shift_right_logical3A_841 : vector<8x256x128xi32>
    %xor3A_843 = arith.xori %add3A_835, %or3A_842 : vector<8x256x128xi32>
    %add3A_844 = arith.addi %add3A_835, %xor3A_843 : vector<8x256x128xi32>
    %shift_left3A_845 = arith.constant 24 : i32
    %shift_left3A_846 = vector.broadcast %shift_left3A_845 : i32 to vector<8x256x128xi32>
    %shift_left3A_847 = arith.shli %xor3A_843, %shift_left3A_846 : vector<8x256x128xi32>
    %shift_right_logical3A_848 = arith.constant 8 : i32
    %shift_right_logical3A_849 = vector.broadcast %shift_right_logical3A_848 : i32 to vector<8x256x128xi32>
    %shift_right_logical3A_850 = arith.shrui %xor3A_843, %shift_right_logical3A_849 : vector<8x256x128xi32>
    %or3A_851 = arith.ori %shift_left3A_847, %shift_right_logical3A_850 : vector<8x256x128xi32>
    %xor3A_852 = arith.xori %add3A_844, %or3A_851 : vector<8x256x128xi32>
    %add3A_853 = vector.broadcast %get3A_165 : i32 to vector<8x256x128xi32>
    %add3A_854 = arith.addi %add3A_844, %add3A_853 : vector<8x256x128xi32>
    %add3A_855 = vector.broadcast %xor3A_686 : i32 to vector<8x256x128xi32>
    %add3A_856 = arith.addi %xor3A_852, %add3A_855 : vector<8x256x128xi32>
    %add3A_857 = arith.constant 4 : i32
    %add3A_858 = vector.broadcast %add3A_857 : i32 to vector<8x256x128xi32>
    %add3A_859 = arith.addi %add3A_856, %add3A_858 : vector<8x256x128xi32>
    %add3A_860 = arith.addi %add3A_854, %add3A_859 : vector<8x256x128xi32>
    %shift_left3A_861 = arith.constant 13 : i32
    %shift_left3A_862 = vector.broadcast %shift_left3A_861 : i32 to vector<8x256x128xi32>
    %shift_left3A_863 = arith.shli %add3A_859, %shift_left3A_862 : vector<8x256x128xi32>
    %shift_right_logical3A_864 = arith.constant 19 : i32
    %shift_right_logical3A_865 = vector.broadcast %shift_right_logical3A_864 : i32 to vector<8x256x128xi32>
    %shift_right_logical3A_866 = arith.shrui %add3A_859, %shift_right_logical3A_865 : vector<8x256x128xi32>
    %or3A_867 = arith.ori %shift_left3A_863, %shift_right_logical3A_866 : vector<8x256x128xi32>
    %xor3A_868 = arith.xori %add3A_860, %or3A_867 : vector<8x256x128xi32>
    %add3A_869 = arith.addi %add3A_860, %xor3A_868 : vector<8x256x128xi32>
    %shift_left3A_870 = arith.constant 15 : i32
    %shift_left3A_871 = vector.broadcast %shift_left3A_870 : i32 to vector<8x256x128xi32>
    %shift_left3A_872 = arith.shli %xor3A_868, %shift_left3A_871 : vector<8x256x128xi32>
    %shift_right_logical3A_873 = arith.constant 17 : i32
    %shift_right_logical3A_874 = vector.broadcast %shift_right_logical3A_873 : i32 to vector<8x256x128xi32>
    %shift_right_logical3A_875 = arith.shrui %xor3A_868, %shift_right_logical3A_874 : vector<8x256x128xi32>
    %or3A_876 = arith.ori %shift_left3A_872, %shift_right_logical3A_875 : vector<8x256x128xi32>
    %xor3A_877 = arith.xori %add3A_869, %or3A_876 : vector<8x256x128xi32>
    %add3A_878 = arith.addi %add3A_869, %xor3A_877 : vector<8x256x128xi32>
    %shift_left3A_879 = arith.constant 26 : i32
    %shift_left3A_880 = vector.broadcast %shift_left3A_879 : i32 to vector<8x256x128xi32>
    %shift_left3A_881 = arith.shli %xor3A_877, %shift_left3A_880 : vector<8x256x128xi32>
    %shift_right_logical3A_882 = arith.constant 6 : i32
    %shift_right_logical3A_883 = vector.broadcast %shift_right_logical3A_882 : i32 to vector<8x256x128xi32>
    %shift_right_logical3A_884 = arith.shrui %xor3A_877, %shift_right_logical3A_883 : vector<8x256x128xi32>
    %or3A_885 = arith.ori %shift_left3A_881, %shift_right_logical3A_884 : vector<8x256x128xi32>
    %xor3A_886 = arith.xori %add3A_878, %or3A_885 : vector<8x256x128xi32>
    %add3A_887 = arith.addi %add3A_878, %xor3A_886 : vector<8x256x128xi32>
    %shift_left3A_888 = arith.constant 6 : i32
    %shift_left3A_889 = vector.broadcast %shift_left3A_888 : i32 to vector<8x256x128xi32>
    %shift_left3A_890 = arith.shli %xor3A_886, %shift_left3A_889 : vector<8x256x128xi32>
    %shift_right_logical3A_891 = arith.constant 26 : i32
    %shift_right_logical3A_892 = vector.broadcast %shift_right_logical3A_891 : i32 to vector<8x256x128xi32>
    %shift_right_logical3A_893 = arith.shrui %xor3A_886, %shift_right_logical3A_892 : vector<8x256x128xi32>
    %or3A_894 = arith.ori %shift_left3A_890, %shift_right_logical3A_893 : vector<8x256x128xi32>
    %xor3A_895 = arith.xori %add3A_887, %or3A_894 : vector<8x256x128xi32>
    %add3A_896 = vector.broadcast %xor3A_686 : i32 to vector<8x256x128xi32>
    %add3A_897 = arith.addi %add3A_887, %add3A_896 : vector<8x256x128xi32>
    %add3A_898 = vector.broadcast %get3A_163 : i32 to vector<8x256x128xi32>
    %add3A_899 = arith.addi %xor3A_895, %add3A_898 : vector<8x256x128xi32>
    %add3A_900 = arith.constant 5 : i32
    %add3A_901 = vector.broadcast %add3A_900 : i32 to vector<8x256x128xi32>
    %add3A_902 = arith.addi %add3A_899, %add3A_901 : vector<8x256x128xi32>
    %xor3A_903 = arith.xori %add3A_897, %add3A_902 : vector<8x256x128xi32>
    %shift_right_logical3A_904 = arith.constant 9 : i32
    %shift_right_logical3A_905 = vector.broadcast %shift_right_logical3A_904 : i32 to vector<8x256x128xi32>
    %shift_right_logical3A_906 = arith.shrui %xor3A_903, %shift_right_logical3A_905 : vector<8x256x128xi32>
    %or3A_907 = arith.constant 1065353216 : i32
    %or3A_908 = vector.broadcast %or3A_907 : i32 to vector<8x256x128xi32>
    %or3A_909 = arith.ori %shift_right_logical3A_906, %or3A_908 : vector<8x256x128xi32>
    %bitcast_convert_type3A_910 = tpu.bitcast %or3A_909 : vector<8x256x128xi32> -> vector<8x256x128xf32>
    %sub3A_911 = arith.constant 1.000000e+00 : f32
    %sub3A_912 = vector.broadcast %sub3A_911 : f32 to vector<8x256x128xf32>
    %sub3A_913 = arith.subf %bitcast_convert_type3A_910, %sub3A_912 : vector<8x256x128xf32>
    %add3A_914 = arith.constant 1.17549435E-38 : f32
    %add3A_915 = vector.broadcast %add3A_914 : f32 to vector<8x256x128xf32>
    %add3A_916 = arith.addf %sub3A_913, %add3A_915 : vector<8x256x128xf32>
    %log3A_917 = math.log %add3A_916 : vector<8x256x128xf32>
    %neg3A_918 = arith.constant 0.000000e+00 : f32
    %neg3A_919 = vector.broadcast %neg3A_918 : f32 to vector<8x256x128xf32>
    %neg3A_920 = arith.subf %neg3A_919, %log3A_917 : vector<8x256x128xf32>
    %log3A_921 = math.log %neg3A_920 : vector<8x256x128xf32>
    %neg3A_922 = arith.constant 0.000000e+00 : f32
    %neg3A_923 = vector.broadcast %neg3A_922 : f32 to vector<8x256x128xf32>
    %neg3A_924 = arith.subf %neg3A_923, %log3A_921 : vector<8x256x128xf32>
    %add3A_925 = arith.addf %log3A, %neg3A_924 : vector<8x256x128xf32>
    %reduce_max3A_926 = arith.constant dense<0xFF800000> : vector<8xf32>
    %reduce_max3A_927 = vector.multi_reduction <maximumf>, %add3A_925, %reduce_max3A_926 [1, 2] : vector<8x256x128xf32> to vector<8xf32>
    %broadcast_in_dim3A_928 = vector.shape_cast %reduce_max3A_927 : vector<8xf32> to vector<8x1x1xf32>
    %eq3A_929 = vector.broadcast %broadcast_in_dim3A_928 : vector<8x1x1xf32> to vector<8x256x128xf32>
    %eq3A_930 = arith.cmpf oeq, %add3A_925, %eq3A_929 : vector<8x256x128xf32>
    %jit3A_931 = arith.constant 32768 : i32
    %broadcast_in_dim3A_932 = vector.broadcast %jit3A_931 : i32 to vector<8x256x128xi32>
    %select_n3A_933 = arith.select %eq3A_930, %add3A_155, %broadcast_in_dim3A_932 : vector<8x256x128xi1>, vector<8x256x128xi32>
    %reduce_min3A_934 = arith.constant dense<2147483647> : vector<8xi32>
    %reduce_min3A_935 = vector.multi_reduction <minsi>, %select_n3A_933, %reduce_min3A_934 [1, 2] : vector<8x256x128xi32> to vector<8xi32>
    %eq3A_936 = arith.cmpi eq, %reduce_min3A_425, %reduce_min3A_161 : vector<8xi32>
    %eq3A_937 = arith.cmpi eq, %reduce_min3A_680, %reduce_min3A_161 : vector<8xi32>
    %select_n3A_938 = arith.select %eq3A_937, %reduce_min3A_680, %reduce_min3A_935 : vector<8xi1>, vector<8xi32>
    %select_n3A_939 = arith.select %eq3A_936, %reduce_min3A_425, %select_n3A_938 : vector<8xi1>, vector<8xi32>
    %swap3A = arith.constant 0 : index
    %swap3A_940 = arith.constant 0 : index
    %swap3A_941 = arith.constant 0 : index
    %swap3A_942 = vector.load %arg6[%swap3A, %swap3A_940, %swap3A_941] : memref<1x1x8xi32, #tpu.memory_space<vmem>>, vector<1x1x8xi32>
    %swap3A_943 = vector.shape_cast %swap3A_942 : vector<1x1x8xi32> to vector<8xi32>
    %swap3A_944 = vector.shape_cast %select_n3A_939 : vector<8xi32> to vector<1x1x8xi32>
    tpu.vector_store %arg6[%swap3A, %swap3A_940, %swap3A_941], %swap3A_944 {strides = array<i32>} : memref<1x1x8xi32, #tpu.memory_space<vmem>>, vector<1x1x8xi32>,
    return
  }
  func.func @transform_0(%arg0: i32) -> i32 {
    %c0_i32 = arith.constant 0 : i32
    %c0_i32_0 = arith.constant 0 : i32
    return %c0_i32 : i32
  }
  func.func @transform_1(%arg0: i32) -> (i32, i32, i32) {
    %c0_i32 = arith.constant 0 : i32
    %c0_i32_0 = arith.constant 0 : i32
    %c0_i32_1 = arith.constant 0 : i32
    return %arg0, %c0_i32, %c0_i32_0 : i32, i32, i32
  }
  func.func @transform_2(%arg0: i32) -> (i32, i32, i32) {
    %c0_i32 = arith.constant 0 : i32
    %c0_i32_0 = arith.constant 0 : i32
    %c0_i32_1 = arith.constant 0 : i32
    %c0_i32_2 = arith.constant 0 : i32
    return %c0_i32, %c0_i32_0, %c0_i32_1 : i32, i32, i32
  }
  func.func @transform_3(%arg0: i32) -> (i32, i32, i32) {
    %c0_i32 = arith.constant 0 : i32
    %c0_i32_0 = arith.constant 0 : i32
    %c0_i32_1 = arith.constant 0 : i32
    %c0_i32_2 = arith.constant 0 : i32
    return %c0_i32, %c0_i32_0, %c0_i32_1 : i32, i32, i32
  }
  func.func @transform_4(%arg0: i32) -> (i32, i32) {
    %c0_i32 = arith.constant 0 : i32
    %c0_i32_0 = arith.constant 0 : i32
    %c0_i32_1 = arith.constant 0 : i32
    return %c0_i32, %c0_i32_0 : i32, i32
  }
  func.func @transform_5(%arg0: i32) -> (i32, i32, i32) {
    %c0_i32 = arith.constant 0 : i32
    %c0_i32_0 = arith.constant 0 : i32
    %c0_i32_1 = arith.constant 0 : i32
    return %arg0, %c0_i32, %c0_i32_0 : i32, i32, i32
  }
}

</mosaic_0001>

<sc_bundles>
// kernel: sparse-core-data-format-call.cloned.1.call-start
scs
called_computation_lowered:
.L_overlay_start_0:
0x0: {  	s2 =	sld [smem:$0x3FD9]  }
0x1: {  	s3 =	sld [smem:$0x3FFE];
	_ =	sdelay $0x1  }
0x2: {  	s1 =	srdreg.scid  }
0x3: {  	s0 =	sand.u32 $0x1, s1  }
0x4: {  	s18 =	sshll.u32 s0, $0xA;
	s2 =	sadd.s32 s3, s2  }
0x5: {  	s2 =	sadd.s32 s2, s18  }
0x6: {  	[smem:$0x3FC5] =	sst s2  }
0x7: {  	_ = 	snop  }
0x8: {  	s2 =	sld [smem:$0x3FC9];
	(tm) =	ssettm $0x1  }
0x9: {  	s19 =	sld [smem:$0x3FFB];
	_ =	sdelay $0x3  }
0xa: {  	_ =	strace s19  }
0xb: {  	s3 =	sld [smem:$0x3FFC];
	_ =	sdelay $0x3  }
0xc: {  	_ =	strace s3  }
0xd: {  	s3 =	sld [smem:$0x3FFD];
	_ =	sdelay $0x3  }
0xe: {  	_ =	strace s3  }
0xf: {  	_ =	strace $0x8FFFFFFF  }
0x10: {  	s20 =	sld [smem:$0x3FDB];
	_ =	sdelay $0x1  }
0x11: {  	s4 =	simm.s32 $_scs_section_size  }
0x12: {  	s5 =	simm.s32 $_size__tile_overlayer_lowered;
	s6 =	simm.s32 $_tile_overlayer_lowered  }
0x13: {  	s23 =	simm.s32 $0x1BFF;
	s22 =	sshll.u32 s6, $0x1;
	s3 =	sadd.s32 s4, s20  }
0x14: {  	s7 =	simm.s32 $0x0;
	s21 =	sshll.u32 s5, $0x1;
	s5 =	sadd.s32 s22, s3  }
0x15: {  	[timem:s7], [sflag:s23] =	dma.local [hbm:s5], s21  }
0x16: {  	_ =	swait.ge [sflag:s23], s21  }
0x17: {  	s4 =	ssub.s32 $0x0, s21;
	[sflag:s23] =	ssyncset.done $0x0  }
0x18: {  	[sflag:s23] =	ssyncadd.s32 s4;
	_ =	sdelay $0x1  }
0x19: {  	s24 =	simm.s32 $0x1B8B  }
0x1a: {  	_ =	swait.ge [sflag:s24], $0x1  }
0x1b: {  	[sflag:s24] =	ssyncset.done $0x0  }
0x1c: {  	s26 =	simm.s32 $0x1B8E;
	s25 =	sld [smem:$0x3FFE];
	[sflag:s24] =	ssyncadd.s32 $0xFFFFFFFF  }
0x1d: {  	s27 =	simm.s32 $execute0_lowered;
	[smem:$0x3FD2] =	sst s26  }
0x1e: {  	s5 =	sshll.u32 s27, $0x1;
	_ =	strace $0x80000046;
	[dreg:$0x1] =	wrdreg $0xFFFFFFFF  }
0x1f: {  	s28 =	simm.s32 $_size_execute0_lowered;
	s3 =	sadd.s32 s3, s5;
	[dreg:$0x0] =	wrdreg $0x0  }
0x20: {  	s5 =	sshll.u32 s28, $0x1;
	[dreg:$0x2] =	wrdreg s3  }
0x21: {  	[dreg:$0x3] =	wrdreg s5  }
0x22: {  	[dreg:$0x4] =	wrdreg $0xC0  }
0x23: {  	_ =	task [dreg:s7], $0x5FFFF  }
0x24: {  	[dreg:$0x1] =	wrdreg $0xFFFFFFFF  }
0x25: {  	[dreg:$0x0] =	wrdreg $0x60  }
0x26: {  	[dreg:$0x2] =	wrdreg s2  }
0x27: {  	[dreg:$0x3] =	wrdreg s25  }
0x28: {  	[dreg:$0x4] =	wrdreg $0x9  }
0x29: {  	_ =	task.clear_ibuf [dreg:s7], $0x5FFFF;
	_ =	strace $0x90000046  }
0x2a: {  	s29 =	simm.s32 $0x9;
	_ =	strace $0x80000048  }
0x2b: {  	_ =	swait.ge [sflag:s29], $0x1  }
0x2c: {  	[sflag:s29] =	ssyncadd.s32 $0xFFFFFFFF  }
0x2d: {  	_ =	strace $0x90000048  }
0x2e: {  	_ =	sfence  }
0x2f: {  	s30 =	sld [smem:$0x0];
	_ =	sdelay $0x2  }
0x30: {  	s31 =	sshll.u32 s1, $0xD;
	s1 =	sshrl.u32 s1, $0x2  }
0x31: {  	s3 =	sand.u32 $0x4000, s31;
	s1 =	sadd.s32 s1, s30  }
0x32: {  	s0 =	sor.u32 s3, s0;
	s1 =	sshll.u32 s1, $0x11  }
0x33: {  	s0 =	sor.u32 s1, s0  }
0x34: {  	s0 =	sadd.s32 $0x8F2B, s0  }
0x35: {  	[sflag:s0] =	ssyncadd.remote.s32 $0x1  }
0x36: {  	_ =	sfence.sel $0xFFFF  }
0x37: {  	[dreg:$0x0] =	wrdreg $0xFFFFFFFF;
	(pc) =	sbr.abs _section_cstart, $3  }
0x38: {  	[dreg:$0x1] =	wrdreg $0xFFFFFFFF  }
0x39: {  	_ =	task.clear_ibuf [dreg:s7], $0x2FFFF;
	_ =	strace $0x9FFFFFFF  }
0x3a: {  	(tm) =	ssettm $0x7FFFFFFF  }
0x3b: {  	_ =	shalt  }
tec
execute0_lowered:
.L_overlay_start_1:
0x0: {  	(tag) =	ssettag $0x1  }
0x1: {  	s2 =	rddreg [dreg:$0x0]  }
0x2: {  	s1 =	rddreg [dreg:$0x1]  }
0x3: {  	s0 =	rddreg [dreg:$0x2];
	_ =	strace $0x80000047;
	s4 =	srdreg.scid  }
0x4: {  	s6 =	simm.s32 $0x2;
	s14 =	simm.s32 $0x0;
	p0 =	por $0x0, $0x0  }
0x5: {  	s12 =	simm.s32 $0x0;
	s15 =	simm.s32 $0x0;
	s13 =	simm.s32 $0x0  }
.Ltmp0:
0x6: {  	s8 =	simm.s32 $0x0;
	s9 =	simm.s32 $0x0;
	(pc) =	sbr.rel .LBB1_1-.Ltmp0, $4  }
0x7: {  	s10 =	simm.s32 $0x0;
	s3 =	sadd.s32 $0xC00, s1;
	s5 =	sshll.u32 s4, $0x4  }
0x8: {  	s1 =	stileid.u32;
	s4 =	simm.s32 $0x1;
	s5 =	sand.u32 $0x10, s5  }
0x9: {  	s7 =	simm.s32 $0x0;
	[sflag:s4] =	ssyncpa.u1 $0x0;
	s5 =	sor.u32 s1, s5  }
0xa: {  	[sflag:s6] =	ssyncpa.u1 $0x0;
	s6 =	simm.s32 $0xC00;
	s11 =	smov.u32 s5  }
.LBB1_5:
0xb: {  	s16 =	sadd.s32 $0x80, s8  }
0xc: {  	s12 =	simm.s32 $0x1;
	p2 =	sgt.s32 s16, $0x17F  }
0xd: {  	s12 =	simm.s32 @!p2 $0x0  }
0xe: {  	s17 =	sadd.s32 s12, s9  }
0xf: {  	s18 =	smov.u32 s10;
	s12 =	sadd.s32 $0x80, s10;
	p3 =	sgt.s32 s17, $0x7  }
0x10: {  	s18 =	smov.u32 @p3 s12  }
0x11: {  	s19 =	smov.u32 s11;
	s12 =	sadd.s32 $0x20, s11;
	p4 =	sgt.s32 s18, $0xFF  }
0x12: {  	p1 =	slt.u32 s7, $0x2;
	s19 =	smov.u32 @p4 s12  }
0x13: {  	s7 =	sadd.s32 $0x1, s7;
	s16 =	simm.s32 @p2 $0x0;
	p2 =	sgt.s32 s19, $0x7F  }
0x14: {  	s20 =	simm.s32 @!p1 $0x2;
	s19 =	smov.u32 @p2 s5;
	p2 =	sne.s32 s7, $0xC2  }
.Ltmp1:
0x15: {  	s14 =	smov.u32 s8;
	_ =	swait.ge @!p1 [sflag:s20], $0x4000;
	(pc) =	sbr.rel @!p2 .LBB1_6-.Ltmp1, $4  }
0x16: {  	s15 =	smov.u32 s10;
	s13 =	smov.u32 s11;
	[sflag:s20] =	ssyncset.done @!p1 $0x0  }
0x17: {  	p0 =	por !p0, !p0;
	s8 =	smov.u32 s16;
	[sflag:s20] =	ssyncadd.s32 @!p1 $0xFFFFC000  }
0x18: {  	s17 =	simm.s32 @p3 $0x0;
	s18 =	simm.s32 @p4 $0x0;
	s12 =	smov.u32 s9  }
0x19: {  	s9 =	smov.u32 s17;
	s10 =	smov.u32 s18;
	s11 =	smov.u32 s19  }
.LBB1_1:
0x1a: {  	p1 =	sgt.u32 s7, $0xBF  }
0x1b: {  	s16 =	sshrl.u32 @!p1 s9, $0x3  }
0x1c: {  	s17 =	sshll.u32 @!p1 s8, $0x3;
	s16 =	smul.u32 @!p1 $0xC00, s16  }
0x1d: {  	s18 =	sshll.u32 @!p1 s9, $0x7;
	s17 =	sand.u32 @!p1 $0xFFFFFC00, s17  }
0x1e: {  	s16 =	sadd.s32 @!p1 s16, s17;
	s17 =	sand.u32 @!p1 $0x380, s18  }
0x1f: {  	s18 =	sand.u32 @!p1 $0x7F, s8;
	s16 =	sor.u32 @!p1 s17, s16  }
0x20: {  	s17 =	sor.u32 @!p1 s18, s16  }
0x21: {  	s18 =	smulhi.u32 @!p1 $0xAAAAAAAB, s17  }
0x22: {  	s16 =	smulhi.u32 @!p1 $0xAAAAAAAB, s16  }
0x23: {  	s20 =	smul.u32 @!p1 $0x18000, s11;
	s18 =	sshrl.u32 @!p1 s18, $0x8  }
0x24: {  	s19 =	sxor.u32 @!p1 $0xFFFFFFFF, s7;
	s16 =	sshrl.u32 @!p1 s16, $0x8;
	s18 =	smul.u32 @!p1 $0x180, s18  }
0x25: {  	s21 =	smul.u32 @!p1 $0x180, s10;
	s19 =	sshll.u32 @!p1 s19, $0xE;
	s16 =	sand.u32 @!p1 $0x7, s16  }
0x26: {  	s16 =	smul.u32 @!p1 $0x30, s16;
	s17 =	ssub.s32 @!p1 s17, s18;
	s18 =	sadd.s32 @!p1 s2, s20  }
0x27: {  	s19 =	sand.u32 @!p1 $0x4000, s19;
	s18 =	sadd.s32 @!p1 s21, s18;
	s20 =	sand.u32 @!p1 $0x7, s17  }
0x28: {  	s17 =	sshrl.u32 @!p1 s17, $0x3;
	s16 =	sadd.s32 @!p1 s16, s18;
	s18 =	sshll.u32 @!p1 s20, $0x12  }
0x29: {  	s16 =	sadd.s32 @!p1 s17, s16;
	s17 =	sor.u32 @!p1 $0x80, s18;
	s18 =	simm.s32 @!p1 $0xC00  }
0x2a: {  	[tilespmem:s19], [sflag:$0x1] =	stream.strided.gather @!p1 [hbm4b:s16+s17], $0x4000, s18, s17, $0x38;
	[tilespmem:$0x10000] =	vst v63  }
0x2b: {  	p1 =	seq.s32 s7, $0x0  }
0x2c: {  	p2 =	seq.s32 @!p1 s7, $0xC1  }
0x2d: {  	p1 =	por p1, p2  }
.Ltmp2:
0x2e: {  	_ = 	snop;
	(pc) =	sbr.rel @p1 .LBB1_5-.Ltmp2, $1  }
0x2f: {  	_ =	sdelay $0x3  }
0x30: {  	s16 =	simm.s32 $0x1  }
0x31: {  	s16 =	simm.s32 @!p0 $0x0  }
0x32: {  	s16 =	sshll.u32 s16, $0xE  }
0x33: {  	s17 =	sor.u32 $0x70, s16  }
0x34: {  	v1 =	vmov s17;
	_ =	sdelay $0x1  }
0x35: {  	_ =	swait.ge [sflag:s4], $0x4000  }
0x36: {  	[sflag:s4] =	ssyncset.done $0x0  }
0x37: {  	s18 =	simm.s32 $0x0;
	[sflag:s4] =	ssyncadd.s32 $0xFFFFC000  }
0x38: {  	s16 =	sor.u32 $0x8040, s16;
	v6 =	vld.idx.msk [tilespmem:v1+s18+$0x0 ss:$0x1], $0xffff  }
0x39: {  	v0 =	vmov s16;
	v8 =	vld.idx.msk [tilespmem:v1+s18+$0xFFFFFF90 ss:$0x1], $0xffff  }
0x3a: {  	v7 =	vld.idx.msk [tilespmem:v1+s18+$0xFFFFFFA0 ss:$0x1], $0xffff  }
0x3b: {  	v5 =	vld.idx.msk [tilespmem:v1+s18+$0xFFFFFFB0 ss:$0x1], $0xffff  }
0x3c: {  	v4 =	vld.idx.msk [tilespmem:v1+s18+$0xFFFFFFC0 ss:$0x1], $0xffff  }
0x3d: {  	s31 =	sshll.u32 s7, $0xE;
	v2 =	vld.idx.msk [tilespmem:v1+s18+$0xFFFFFFD0 ss:$0x1], $0xffff  }
0x3e: {  	s16 =	sand.u32 $0x4000, s31;
	v3 =	vld.idx.msk [tilespmem:v1+s18+$0xFFFFFFE0 ss:$0x1], $0xffff;
	[tilespmem:v0+s18+$0x30 ss:$0x1] =	vst.idx.msk $0xffff, v6  }
0x3f: {  	s19 =	simm.s32 $0x400;
	s17 =	simm.s32 $0x80;
	s16 =	sor.u32 $0x8000, s16;
	[tilespmem:v0+s18+$0xFFFFFFC0 ss:$0x1] =	vst.idx.msk $0xffff, v8;
	v6 =	vld.idx.msk [tilespmem:v1+s18+$0xFFFFFFF0 ss:$0x1], $0xffff  }
.LBB1_3:
0x40: {  	p1 =	sne.s32 s19, $0xFE00;
	v8 =	vld.idx.msk [tilespmem:v1+s17+$0x0 ss:$0x1], $0xffff;
	[tilespmem:v0+s18+$0xFFFFFFD0 ss:$0x1] =	vst.idx.msk $0xffff, v7  }
0x41: {  	v9 =	vld.idx.msk [tilespmem:v1+s17+$0xFFFFFF90 ss:$0x1], $0xffff;
	[tilespmem:v0+s18+$0xFFFFFFE0 ss:$0x1] =	vst.idx.msk $0xffff, v5  }
0x42: {  	v7 =	vld.idx.msk [tilespmem:v1+s17+$0xFFFFFFA0 ss:$0x1], $0xffff;
	[tilespmem:v0+s18+$0xFFFFFFF0 ss:$0x1] =	vst.idx.msk $0xffff, v4  }
.Ltmp3:
0x43: {  	v5 =	vld.idx.msk [tilespmem:v1+s17+$0xFFFFFFB0 ss:$0x1], $0xffff;
	[tilespmem:v0+s18+$0x0 ss:$0x1] =	vst.idx.msk $0xffff, v2;
	(pc) =	sbr.rel @p1 .LBB1_3-.Ltmp3, $4  }
0x44: {  	v4 =	vld.idx.msk [tilespmem:v1+s17+$0xFFFFFFC0 ss:$0x1], $0xffff;
	[tilespmem:v0+s18+$0x10 ss:$0x1] =	vst.idx.msk $0xffff, v3  }
0x45: {  	v2 =	vld.idx.msk [tilespmem:v1+s17+$0xFFFFFFD0 ss:$0x1], $0xffff;
	[tilespmem:v0+s18+$0x20 ss:$0x1] =	vst.idx.msk $0xffff, v6;
	s18 =	smov.u32 s17  }
0x46: {  	v3 =	vld.idx.msk [tilespmem:v1+s18+$0xFFFFFFE0 ss:$0x1], $0xffff;
	[tilespmem:v0+s18+$0x30 ss:$0x1] =	vst.idx.msk $0xffff, v8  }
0x47: {  	s17 =	sshra.s32 s19, $0x2;
	s19 =	sadd.s32 $0x200, s19;
	[tilespmem:v0+s18+$0xFFFFFFC0 ss:$0x1] =	vst.idx.msk $0xffff, v9;
	v6 =	vld.idx.msk [tilespmem:v1+s18+$0xFFFFFFF0 ss:$0x1], $0xffff  }
0x48: {  	_ =	sdelay $0x2  }
0x49: {  	s19 =	sshrl.u32 s15, $0x3  }
0x4a: {  	s20 =	sshll.u32 s14, $0x3;
	[tilespmem:v0+s18+$0xFFFFFFD0 ss:$0x1] =	vst.idx.msk $0xffff, v7;
	s19 =	smul.u32 $0xC00, s19  }
0x4b: {  	s27 =	sshll.u32 s15, $0x7;
	v56 =	vld.idx.msk [tilespmem:v1+s17+$0x0 ss:$0x1], $0xffff;
	[tilespmem:v0+s18+$0xFFFFFFE0 ss:$0x1] =	vst.idx.msk $0xffff, v5;
	s20 =	sand.u32 $0xFFFFFC00, s20  }
0x4c: {  	v57 =	vld.idx.msk [tilespmem:v1+s17+$0xFFFFFF90 ss:$0x1], $0xffff;
	s15 =	sand.u32 $0x380, s27;
	[tilespmem:v0+s18+$0xFFFFFFF0 ss:$0x1] =	vst.idx.msk $0xffff, v4;
	s19 =	sadd.s32 s19, s20  }
0x4d: {  	s28 =	sand.u32 $0x7F, s14;
	v58 =	vld.idx.msk [tilespmem:v1+s17+$0xFFFFFFA0 ss:$0x1], $0xffff;
	[tilespmem:v0+s18+$0x0 ss:$0x1] =	vst.idx.msk $0xffff, v2;
	s15 =	sor.u32 s15, s19  }
0x4e: {  	v59 =	vld.idx.msk [tilespmem:v1+s17+$0xFFFFFFB0 ss:$0x1], $0xffff;
	[tilespmem:v0+s18+$0x10 ss:$0x1] =	vst.idx.msk $0xffff, v3;
	s14 =	sor.u32 s28, s15;
	s15 =	smulhi.u32 $0xAAAAAAAB, s15  }
0x4f: {  	v60 =	vld.idx.msk [tilespmem:v1+s17+$0xFFFFFFC0 ss:$0x1], $0xffff;
	[tilespmem:v0+s18+$0x20 ss:$0x1] =	vst.idx.msk $0xffff, v6;
	s29 =	smulhi.u32 $0xAAAAAAAB, s14  }
0x50: {  	v61 =	vld.idx.msk [tilespmem:v1+s17+$0xFFFFFFD0 ss:$0x1], $0xffff;
	s13 =	smul.u32 $0x18000, s13;
	[tilespmem:v0+s17+$0x30 ss:$0x1] =	vst.idx.msk $0xffff, v56  }
0x51: {  	v62 =	vld.idx.msk [tilespmem:v1+s17+$0xFFFFFFE0 ss:$0x1], $0xffff;
	s12 =	smul.u32 $0x3000, s12;
	[tilespmem:v0+s17+$0xFFFFFFC0 ss:$0x1] =	vst.idx.msk $0xffff, v57;
	s15 =	sshrl.u32 s15, $0x8;
	s30 =	sshrl.u32 s29, $0x8  }
0x52: {  	v63 =	vld.idx.msk [tilespmem:v1+s17+$0xFFFFFFF0 ss:$0x1], $0xffff;
	[tilespmem:v0+s17+$0xFFFFFFD0 ss:$0x1] =	vst.idx.msk $0xffff, v58;
	s15 =	sand.u32 $0xFF, s15;
	s18 =	smul.u32 $0x180, s30  }
0x53: {  	[tilespmem:v0+s17+$0xFFFFFFE0 ss:$0x1] =	vst.idx.msk $0xffff, v59;
	s15 =	smul.u32 $0x30, s15  }
.Ltmp4:
0x54: {  	s13 =	sadd.s32 s3, s13;
	[tilespmem:v0+s17+$0xFFFFFFF0 ss:$0x1] =	vst.idx.msk $0xffff, v60;
	s14 =	ssub.s32 s14, s18;
	(pc) =	sbr.rel .LBB1_5-.Ltmp4, $4  }
0x55: {  	s12 =	sadd.s32 s12, s13;
	[tilespmem:v0+s17+$0x0 ss:$0x1] =	vst.idx.msk $0xffff, v61;
	s31 =	sand.u32 $0x7, s14  }
0x56: {  	[tilespmem:v0+s17+$0x10 ss:$0x1] =	vst.idx.msk $0xffff, v62;
	s12 =	sadd.s32 s15, s12;
	s14 =	sshrl.u32 s14, $0x3;
	s13 =	sshll.u32 s31, $0x12  }
0x57: {  	[tilespmem:v0+s17+$0x20 ss:$0x1] =	vst.idx.msk $0xffff, v63;
	s12 =	sadd.s32 s14, s12;
	s13 =	sor.u32 $0x400, s13  }
0x58: {  	[hbm4b:s12+s13] =	stream.strided.scatter [tilespmem:s16], [sflag:$0x2], $0x4000, s6, s13, $0x38;
	[tilespmem:$0x10000] =	vst v63  }
.LBB1_6:
0x59: {  	_ =	sfence.sel $0x180000  }
0x5a: {  	s2 =	simm.s32 $0x1;
	[bflag:$0x0] =	sbarrier.arrive $0xFFFF  }
0x5b: {  	s31 =	simm.s32 $0x2;
	[sflag:s2] =	ssyncpa.u1 $0x1  }
0x5c: {  	[sflag:s31] =	ssyncpa.u1 $0x1  }
0x5d: {  	p0 =	sne.s32 s1, $0x0;
	_ =	strace $0x90000047  }
0x5e: {  	s0 =	sadd.s32 @!p0 $0x100000, s0;
	[bflag:$0x2] =	sbarrier.arrive $0xFFFF  }
0x5f: {  	[sflag:s0] =	ssyncadd.tile.s32 @!p0 $0x1;
	_ =	shalt  }
.Lfunc_end1:
_tile_overlayer_lowered:
.L_overlay_start_2:
0x60: {  	(tag) =	ssettag $0x2  }
0x61: {  	s0 =	rddreg [dreg:$0x0];
	s2 =	stileid.u32  }
0x62: {  	s1 =	rddreg [dreg:$0x1];
	p0 =	sne.s32 s2, $0x0  }
0x63: {  	s3 =	rddreg [dreg:$0x2];
	[bflag:$0x3] =	sbarrier.arrive $0xFFFF;
	s2 =	simm.s32 @!p0 $0x1C01  }
0x64: {  	[timem:s3], [sflag:s2] =	dma.local @!p0 [hbm:s0], s1  }
0x65: {  	s0 =	simm.s32 @!p0 $0x1  }
0x66: {  	_ =	swait.ge @!p0 [sflag:s0], s1  }
0x67: {  	s1 =	ssub.s32 @!p0 $0x0, s1;
	[sflag:s0] =	ssyncset.done @!p0 $0x0  }
0x68: {  	[sflag:s0] =	ssyncadd.s32 @!p0 s1  }
0x69: {  	[bflag:$0x3] =	sbarrier.arrive $0xFFFF  }
0x6a: {  	_ =	shalt  }

</sc_bundles>
